<compile_context>
chip_gen: v7x
topology: tpu7x:2x2x1
jax: 0.10.2.dev20260603
libtpu: 0.0.44.dev20260713+nightly
codegen_flags: <defaults>
</compile_context>

<pallas_src>
import functools

import jax
import jax.numpy as jnp
from jax import lax
from jax.experimental import pallas as pl
from jax.experimental.pallas import tpu as pltpu
from jax.experimental.pallas import tpu_sc as plsc


def _lane_shift(x, k):
    e = x.shape[1]
    return jnp.concatenate(
        [jnp.zeros((1, k), x.dtype), x[:, :e - k]], axis=1)


def _router_body(x_ref, wg_ref, tril_ref, logits_ref, dest_ref,
                 be_ref, w1_ref, w2_ref, *, blk, nb):
    x = x_ref[...]
    wg = wg_ref[...]
    logits = jax.lax.dot_general(
        x, wg, (((1,), (1,)), ((), ())),
        preferred_element_type=jnp.float32,
    )
    logits_ref[...] = logits
    T, E = logits.shape
    m = jnp.max(logits, axis=1, keepdims=True)
    ex = jnp.exp(logits - m)
    p = ex / jnp.sum(ex, axis=1, keepdims=True)
    eidx = jax.lax.broadcasted_iota(jnp.int32, (T, E), 1)
    a1 = jnp.argmax(p, axis=1).astype(jnp.int32)
    m1 = jnp.max(p, axis=1)
    mask1 = eidx == a1[:, None]
    p2 = jnp.where(mask1, -1.0, p)
    a2 = jnp.argmax(p2, axis=1).astype(jnp.int32)
    m2 = jnp.max(p2, axis=1)
    denom = m1 + m2
    w1_ref[...] = m1 / denom
    w2_ref[...] = m2 / denom
    mask2 = eidx == a2[:, None]

    C = T // 2
    tril = tril_ref[...]
    chunks = [mask1[:C], mask1[C:], mask2[:C], mask2[C:]]
    inc = []
    prefix = jnp.zeros((1, E), jnp.float32)
    prefixes = []
    for mk in chunks:
        mb = mk.astype(jnp.bfloat16)
        cs = jax.lax.dot_general(tril, mb, (((1,), (0,)), ((), ())),
                                 preferred_element_type=jnp.float32)
        inc.append(cs)
        prefixes.append(prefix)
        prefix = prefix + cs[C - 1:C, :]
    counts = prefix
    rank_parts = []
    for mk, cs, pf in zip(chunks, inc, prefixes):
        mf = mk.astype(jnp.float32)
        rank_parts.append(jnp.sum((cs + pf) * mf, axis=1) - 1.0)
    counts_i = counts.astype(jnp.int32)
    nblk = (counts_i + blk - 1) // blk
    seg_end = nblk + _lane_shift(nblk, 1)
    seg_end = seg_end + _lane_shift(seg_end, 2)
    seg_end = seg_end + _lane_shift(seg_end, 4)
    seg_start = seg_end - nblk
    seg_start_f = seg_start.astype(jnp.float32)
    dest_parts = []
    for mk, rk in zip(chunks, rank_parts):
        sel = jnp.sum(seg_start_f * mk.astype(jnp.float32), axis=1)
        dest_parts.append((sel * blk + rk).astype(jnp.int32))
    dest_ref[...] = jnp.concatenate(dest_parts)
    nlanes = be_ref.shape[1]
    bi = jax.lax.broadcasted_iota(jnp.int32, (nlanes, E), 0)
    ge = (bi >= jnp.broadcast_to(seg_end, (nlanes, E))).astype(jnp.int32)
    bexp = jnp.minimum(jnp.sum(ge, axis=1), E - 1)
    lane = jax.lax.broadcasted_iota(jnp.int32, (nlanes,), 0)
    used = jnp.sum(nblk)
    be_ref[...] = jnp.where(lane < nb, bexp,
                            jnp.where(lane == nb, used, 0))[None, :]


def _sc_scatter_body(x_hbm, idx_hbm, o_hbm, idx_v, rows_v, sem, *, chunks):
    nc = 2
    bpw = idx_v.shape[0]
    wid = lax.axis_index("subcore") * nc + lax.axis_index("core")
    t = x_hbm.shape[0]
    for c in range(chunks):
        base = wid * (bpw * chunks) + c * bpw
        src = lax.rem(base, t)
        pltpu.sync_copy(idx_hbm.at[pl.ds(base, bpw)], idx_v)
        pltpu.sync_copy(x_hbm.at[pl.ds(src, bpw)], rows_v)
        pltpu.async_copy(rows_v, o_hbm.at[idx_v], sem).wait()


def _sc_gather_body(ys_hbm, idx_hbm, o_hbm, idx_v, rows_v, sem, *, chunks):
    nc = 2
    bpw = idx_v.shape[0]
    wid = lax.axis_index("subcore") * nc + lax.axis_index("core")
    for c in range(chunks):
        base = wid * (bpw * chunks) + c * bpw
        pltpu.sync_copy(idx_hbm.at[pl.ds(base, bpw)], idx_v)
        pltpu.async_copy(ys_hbm.at[idx_v], rows_v, sem).wait()
        pltpu.sync_copy(rows_v, o_hbm.at[pl.ds(base, bpw)])


_SC_MESH = dict(core_axis_name="core", subcore_axis_name="subcore")
_NW = 32


_CHUNKS = 2


def _sc_scatter_rows(x, dest, p):
    a = dest.shape[0]
    d = x.shape[1]
    bpw = a // (_NW * _CHUNKS)
    run = pl.kernel(
        functools.partial(_sc_scatter_body, chunks=_CHUNKS),
        out_type=jax.ShapeDtypeStruct((p, d), x.dtype),
        mesh=plsc.VectorSubcoreMesh(**_SC_MESH),
        scratch_types=[
            pltpu.VMEM((bpw,), jnp.int32),
            pltpu.VMEM((bpw, d), x.dtype),
            pltpu.SemaphoreType.DMA,
        ],
    )
    return run(x, dest)


def _sc_gather_rows(ys, dest):
    a = dest.shape[0]
    d = ys.shape[1]
    bpw = a // (_NW * _CHUNKS)
    run = pl.kernel(
        functools.partial(_sc_gather_body, chunks=_CHUNKS),
        out_type=jax.ShapeDtypeStruct((a, d), ys.dtype),
        mesh=plsc.VectorSubcoreMesh(**_SC_MESH),
        scratch_types=[
            pltpu.VMEM((bpw,), jnp.int32),
            pltpu.VMEM((bpw, d), ys.dtype),
            pltpu.SemaphoreType.DMA,
        ],
    )
    return run(ys, dest)


def _gemm_body(be_ref, xs_ref, wg_ref, wu_ref, wd_ref, ys_ref):
    nb = pl.num_programs(0)

    @pl.when(pl.program_id(0) < be_ref[nb])
    def _compute():
        xb = xs_ref[...].astype(jnp.bfloat16)
        wg = wg_ref[0].astype(jnp.bfloat16)
        wu = wu_ref[0].astype(jnp.bfloat16)
        wd = wd_ref[0].astype(jnp.bfloat16)
        g = jax.lax.dot_general(xb, wg, (((1,), (1,)), ((), ())),
                                preferred_element_type=jnp.float32)
        u = jax.lax.dot_general(xb, wu, (((1,), (1,)), ((), ())),
                                preferred_element_type=jnp.float32)
        h = (g * jax.lax.logistic(g) * u).astype(jnp.bfloat16)
        y = jax.lax.dot_general(h, wd, (((1,), (1,)), ((), ())),
                                preferred_element_type=jnp.float32)
        ys_ref[...] = y


def _combine_body(y1_ref, y2_ref, w1_ref, w2_ref, out_ref):
    out_ref[...] = y1_ref[0] * w1_ref[...] + y2_ref[0] * w2_ref[...]


def kernel(hidden_states, W_gate, W_g, W_u, W_d):
    b, s, d = hidden_states.shape
    x = hidden_states.reshape(-1, d)
    T, D = x.shape
    E, F, _ = W_g.shape
    K = 2
    BLK = 256
    NB = T * K // BLK + E - 1
    P = NB * BLK
    SL = D // 128
    A = T * K
    NW = 32
    BPW = A // NW

    tril_c = jnp.tril(jnp.ones((T // 2, T // 2), jnp.bfloat16))
    logits, dest, be_out, w1, w2 = pl.pallas_call(
        functools.partial(_router_body, blk=BLK, nb=NB),
        out_shape=(
            jax.ShapeDtypeStruct((T, E), jnp.float32),
            jax.ShapeDtypeStruct((A,), jnp.int32),
            jax.ShapeDtypeStruct((1, 128), jnp.int32),
            jax.ShapeDtypeStruct((T,), jnp.float32),
            jax.ShapeDtypeStruct((T,), jnp.float32),
        ),
    )(x, W_gate, tril_c)

    xs = _sc_scatter_rows(x, dest, P)

    be_used = be_out[0, :NB + 1]
    grid_spec = pltpu.PrefetchScalarGridSpec(
        num_scalar_prefetch=1,
        grid=(NB,),
        in_specs=[
            pl.BlockSpec((BLK, D), lambda i, be: (i, 0)),
            pl.BlockSpec((1, F, D), lambda i, be: (be[i], 0, 0)),
            pl.BlockSpec((1, F, D), lambda i, be: (be[i], 0, 0)),
            pl.BlockSpec((1, D, F), lambda i, be: (be[i], 0, 0)),
        ],
        out_specs=pl.BlockSpec((BLK, D), lambda i, be: (i, 0)),
    )
    ys = pl.pallas_call(
        _gemm_body,
        grid_spec=grid_spec,
        out_shape=jax.ShapeDtypeStruct((P, D), jnp.float32),
    )(be_used, xs, W_g, W_u, W_d)

    y12 = _sc_gather_rows(ys, dest)
    y12 = y12.reshape(K, T, D)

    BT = 512
    out = pl.pallas_call(
        _combine_body,
        grid=(T // BT,),
        in_specs=[
            pl.BlockSpec((1, BT, D), lambda t: (0, t, 0)),
            pl.BlockSpec((1, BT, D), lambda t: (1, t, 0)),
            pl.BlockSpec((BT, 1), lambda t: (t, 0)),
            pl.BlockSpec((BT, 1), lambda t: (t, 0)),
        ],
        out_specs=pl.BlockSpec((BT, D), lambda t: (t, 0)),
        out_shape=jax.ShapeDtypeStruct((T, D), jnp.float32),
    )(y12, y12, w1[:, None], w2[:, None])

    return out.reshape(b, s, d), logits.reshape(b, s, E)

# --- scband reference (transcript-rebuilt; emitter-appended) ---
"""Pipeline reference for scband-rnd1-sparse-moe-block-22668837388636 (READ-ONLY COPY).

The authoritative reference and input builder live on the scoring server;
editing this copy changes nothing except your own understanding.
"""

import jax, jax.numpy as jnp
import numpy as np

B, S, D = 1, 2048, 1024
E, K, F = 8, 2, 1024


def setup_inputs(seed: int = 0) -> dict:
    key = jax.random.key(seed)
    ks = jax.random.split(key, 5)
    hidden_states = jax.random.normal(ks[0], (B, S, D), dtype=jnp.float32)
    # gate: nn.Linear(hidden_size, num_experts, bias=False) -> weight [E, D]
    W_gate = jax.random.normal(ks[1], (E, D), dtype=jnp.float32) * 0.02
    # per-expert Qwen3MoeMLP weights, torch layout: gate_proj/up_proj [F, D], down_proj [D, F]
    W_g = jax.random.normal(ks[2], (E, F, D), dtype=jnp.float32) * 0.02
    W_u = jax.random.normal(ks[3], (E, F, D), dtype=jnp.float32) * 0.02
    W_d = jax.random.normal(ks[4], (E, D, F), dtype=jnp.float32) * 0.02
    return {"hidden_states": hidden_states, "W_gate": W_gate, "W_g": W_g, "W_u": W_u, "W_d": W_d}


def reference(hidden_states, W_gate, W_g, W_u, W_d):
    b, s, d = hidden_states.shape
    x = hidden_states.reshape(-1, d)  # [T, D]
    T = x.shape[0]
    router_logits = x @ W_gate.T  # [T, E]
    routing = jax.nn.softmax(router_logits.astype(jnp.float32), axis=1)
    routing_weights, selected_experts = jax.lax.top_k(routing, K)  # [T, K]
    # norm_topk_prob=True
    routing_weights = routing_weights / jnp.sum(routing_weights, axis=-1, keepdims=True)
    # combine per-token per-expert weight (equivalent to one-hot mask + index_add in torch)
    comb = jnp.zeros((T, E), dtype=jnp.float32)
    comb = comb.at[jnp.arange(T)[:, None], selected_experts].add(routing_weights)
    # expert MLP: down(silu(gate(x)) * up(x)), computed densely, weighted by comb
    h_g = jnp.einsum('td,efd->tef', x, W_g)  # [T, E, F]
    h_u = jnp.einsum('td,efd->tef', x, W_u)  # [T, E, F]
    h = jax.nn.silu(h_g) * h_u
    y = jnp.einsum('tef,edf->ted', h, W_d)  # [T, E, D]
    out = jnp.einsum('ted,te->td', y, comb)  # [T, D]
    return out.reshape(b, s, d), router_logits.reshape(b, s, E)

if __name__ == "__main__":
    import jax
    _d = setup_inputs()
    print(jax.jit(kernel)(*tuple(_d.values())))

</pallas_src>

<mosaic_0001>
#map = affine_map<(d0, d1) -> (0, 0)>
#map1 = affine_map<(d0, d1) -> (0)>
module attributes {stable_mosaic.version = 14 : i64} {
  func.func @_sc_scatter_body(%arg0: i32, %arg1: i32, %arg2: memref<2048x1024xf32, #tpu.memory_space<hbm>>, %arg3: memref<4096xi32, #tpu.memory_space<hbm>>, %arg4: memref<5888x1024xf32, #tpu.memory_space<hbm>>, %arg5: memref<64xi32, #tpu.memory_space<vmem>>, %arg6: memref<64x1024xf32, #tpu.memory_space<vmem>>, %arg7: memref<!tpu.dma_semaphore, #tpu.memory_space<semaphore_mem>>) attributes {dimension_semantics = [#tpu.dimension_semantics<core_parallel>, #tpu.dimension_semantics<subcore_parallel>], iteration_bounds = array<i64: 2, 16>, scalar_prefetch = 0 : i64, scratch_operands = 3 : i64, tpu.core_type = #tpu.core_type<sc_vector_subcore>, window_params = [{transform_indices = #map}, {transform_indices = #map1}, {transform_indices = #map}]} {
    %mul3A = arith.constant 2 : i32
    %mul3A_0 = arith.muli %arg1, %mul3A : i32
    %add3A = arith.addi %mul3A_0, %arg0 : i32
    %mul3A_1 = arith.constant 128 : i32
    %mul3A_2 = arith.muli %add3A, %mul3A_1 : i32
    %add3A_3 = arith.constant 0 : i32
    %add3A_4 = arith.addi %mul3A_2, %add3A_3 : i32
    %rem3A = arith.constant 2048 : i32
    %rem3A_5 = arith.remsi %add3A_4, %rem3A : i32
    "tpu.region"() ({
      %run_scoped3A = tpu.sem_alloc : memref<!tpu.dma_semaphore, #tpu.memory_space<semaphore_mem>>
      %dma_start3A_22 = tpu.memref_slice %arg3[%add3A_4] : memref<4096xi32, #tpu.memory_space<hbm>> -> memref<64xi32, #tpu.memory_space<hbm>>
      %dma_start3A_23 = tpu.memref_slice %arg3[%add3A_4] : memref<4096xi32, #tpu.memory_space<hbm>> -> memref<64xi32, #tpu.memory_space<hbm>>
      tpu.enqueue_dma source(%dma_start3A_23 : memref<64xi32, #tpu.memory_space<hbm>>) target(%arg5 : memref<64xi32, #tpu.memory_space<vmem>>) target_semaphore(%run_scoped3A : memref<!tpu.dma_semaphore, #tpu.memory_space<semaphore_mem>>)
      %dma_wait3A_24 = tpu.memref_slice %arg3[%add3A_4] : memref<4096xi32, #tpu.memory_space<hbm>> -> memref<64xi32, #tpu.memory_space<hbm>>
      %dma_wait3A_25 = tpu.memref_slice %arg3[%add3A_4] : memref<4096xi32, #tpu.memory_space<hbm>> -> memref<64xi32, #tpu.memory_space<hbm>>
      tpu.wait_dma2 semaphore(%run_scoped3A : memref<!tpu.dma_semaphore, #tpu.memory_space<semaphore_mem>>) src(%dma_wait3A_25 : memref<64xi32, #tpu.memory_space<hbm>>) dst(%arg5 : memref<64xi32, #tpu.memory_space<vmem>>)
      tpu.yield
    }) : () -> ()
    "tpu.region"() ({
      %run_scoped3A = tpu.sem_alloc : memref<!tpu.dma_semaphore, #tpu.memory_space<semaphore_mem>>
      %dma_start3A_22 = arith.constant 0 : i32
      %dma_start3A_23 = tpu.memref_slice %arg2[%rem3A_5, %dma_start3A_22] : memref<2048x1024xf32, #tpu.memory_space<hbm>> -> memref<64x1024xf32, #tpu.memory_space<hbm>>
      %dma_start3A_24 = arith.constant 0 : i32
      %dma_start3A_25 = tpu.memref_slice %arg2[%rem3A_5, %dma_start3A_24] : memref<2048x1024xf32, #tpu.memory_space<hbm>> -> memref<64x1024xf32, #tpu.memory_space<hbm>>
      tpu.enqueue_dma source(%dma_start3A_25 : memref<64x1024xf32, #tpu.memory_space<hbm>>) target(%arg6 : memref<64x1024xf32, #tpu.memory_space<vmem>>) target_semaphore(%run_scoped3A : memref<!tpu.dma_semaphore, #tpu.memory_space<semaphore_mem>>)
      %dma_wait3A_26 = arith.constant 0 : i32
      %dma_wait3A_27 = tpu.memref_slice %arg2[%rem3A_5, %dma_wait3A_26] : memref<2048x1024xf32, #tpu.memory_space<hbm>> -> memref<64x1024xf32, #tpu.memory_space<hbm>>
      %dma_wait3A_28 = arith.constant 0 : i32
      %dma_wait3A_29 = tpu.memref_slice %arg2[%rem3A_5, %dma_wait3A_28] : memref<2048x1024xf32, #tpu.memory_space<hbm>> -> memref<64x1024xf32, #tpu.memory_space<hbm>>
      tpu.wait_dma2 semaphore(%run_scoped3A : memref<!tpu.dma_semaphore, #tpu.memory_space<semaphore_mem>>) src(%dma_wait3A_29 : memref<64x1024xf32, #tpu.memory_space<hbm>>) dst(%arg6 : memref<64x1024xf32, #tpu.memory_space<vmem>>)
      tpu.yield
    }) : () -> ()
    %dma_start3A = arith.constant 0 : i32
    %dma_start3A_6 = arith.constant 0 : i32
    %dma_start3A_7 = tpu.memref_slice %arg4[%dma_start3A, %dma_start3A_6] : memref<5888x1024xf32, #tpu.memory_space<hbm>> -> memref<5888x1024xf32, #tpu.memory_space<hbm>>
    tpu.enqueue_indirect_dma source(%arg6 : memref<64x1024xf32, #tpu.memory_space<vmem>>) target(%dma_start3A_7 : memref<5888x1024xf32, #tpu.memory_space<hbm>>) offsets(%arg5 : memref<64xi32, #tpu.memory_space<vmem>>) semaphore(%arg7 : memref<!tpu.dma_semaphore, #tpu.memory_space<semaphore_mem>>)
    %dma_wait3A = arith.constant 0 : i32
    %dma_wait3A_8 = arith.constant 0 : i32
    %dma_wait3A_9 = tpu.memref_slice %arg4[%dma_wait3A, %dma_wait3A_8] : memref<5888x1024xf32, #tpu.memory_space<hbm>> -> memref<5888x1024xf32, #tpu.memory_space<hbm>>
    tpu.wait_indirect_dma semaphore(%arg7 : memref<!tpu.dma_semaphore, #tpu.memory_space<semaphore_mem>>) src(%arg6 : memref<64x1024xf32, #tpu.memory_space<vmem>>) dst(%dma_wait3A_9 : memref<5888x1024xf32, #tpu.memory_space<hbm>>)
    %mul3A_10 = arith.constant 128 : i32
    %mul3A_11 = arith.muli %add3A, %mul3A_10 : i32
    %add3A_12 = arith.constant 64 : i32
    %add3A_13 = arith.addi %mul3A_11, %add3A_12 : i32
    %rem3A_14 = arith.constant 2048 : i32
    %rem3A_15 = arith.remsi %add3A_13, %rem3A_14 : i32
    "tpu.region"() ({
      %run_scoped3A = tpu.sem_alloc : memref<!tpu.dma_semaphore, #tpu.memory_space<semaphore_mem>>
      %dma_start3A_22 = tpu.memref_slice %arg3[%add3A_13] : memref<4096xi32, #tpu.memory_space<hbm>> -> memref<64xi32, #tpu.memory_space<hbm>>
      %dma_start3A_23 = tpu.memref_slice %arg3[%add3A_13] : memref<4096xi32, #tpu.memory_space<hbm>> -> memref<64xi32, #tpu.memory_space<hbm>>
      tpu.enqueue_dma source(%dma_start3A_23 : memref<64xi32, #tpu.memory_space<hbm>>) target(%arg5 : memref<64xi32, #tpu.memory_space<vmem>>) target_semaphore(%run_scoped3A : memref<!tpu.dma_semaphore, #tpu.memory_space<semaphore_mem>>)
      %dma_wait3A_24 = tpu.memref_slice %arg3[%add3A_13] : memref<4096xi32, #tpu.memory_space<hbm>> -> memref<64xi32, #tpu.memory_space<hbm>>
      %dma_wait3A_25 = tpu.memref_slice %arg3[%add3A_13] : memref<4096xi32, #tpu.memory_space<hbm>> -> memref<64xi32, #tpu.memory_space<hbm>>
      tpu.wait_dma2 semaphore(%run_scoped3A : memref<!tpu.dma_semaphore, #tpu.memory_space<semaphore_mem>>) src(%dma_wait3A_25 : memref<64xi32, #tpu.memory_space<hbm>>) dst(%arg5 : memref<64xi32, #tpu.memory_space<vmem>>)
      tpu.yield
    }) : () -> ()
    "tpu.region"() ({
      %run_scoped3A = tpu.sem_alloc : memref<!tpu.dma_semaphore, #tpu.memory_space<semaphore_mem>>
      %dma_start3A_22 = arith.constant 0 : i32
      %dma_start3A_23 = tpu.memref_slice %arg2[%rem3A_15, %dma_start3A_22] : memref<2048x1024xf32, #tpu.memory_space<hbm>> -> memref<64x1024xf32, #tpu.memory_space<hbm>>
      %dma_start3A_24 = arith.constant 0 : i32
      %dma_start3A_25 = tpu.memref_slice %arg2[%rem3A_15, %dma_start3A_24] : memref<2048x1024xf32, #tpu.memory_space<hbm>> -> memref<64x1024xf32, #tpu.memory_space<hbm>>
      tpu.enqueue_dma source(%dma_start3A_25 : memref<64x1024xf32, #tpu.memory_space<hbm>>) target(%arg6 : memref<64x1024xf32, #tpu.memory_space<vmem>>) target_semaphore(%run_scoped3A : memref<!tpu.dma_semaphore, #tpu.memory_space<semaphore_mem>>)
      %dma_wait3A_26 = arith.constant 0 : i32
      %dma_wait3A_27 = tpu.memref_slice %arg2[%rem3A_15, %dma_wait3A_26] : memref<2048x1024xf32, #tpu.memory_space<hbm>> -> memref<64x1024xf32, #tpu.memory_space<hbm>>
      %dma_wait3A_28 = arith.constant 0 : i32
      %dma_wait3A_29 = tpu.memref_slice %arg2[%rem3A_15, %dma_wait3A_28] : memref<2048x1024xf32, #tpu.memory_space<hbm>> -> memref<64x1024xf32, #tpu.memory_space<hbm>>
      tpu.wait_dma2 semaphore(%run_scoped3A : memref<!tpu.dma_semaphore, #tpu.memory_space<semaphore_mem>>) src(%dma_wait3A_29 : memref<64x1024xf32, #tpu.memory_space<hbm>>) dst(%arg6 : memref<64x1024xf32, #tpu.memory_space<vmem>>)
      tpu.yield
    }) : () -> ()
    %dma_start3A_16 = arith.constant 0 : i32
    %dma_start3A_17 = arith.constant 0 : i32
    %dma_start3A_18 = tpu.memref_slice %arg4[%dma_start3A_16, %dma_start3A_17] : memref<5888x1024xf32, #tpu.memory_space<hbm>> -> memref<5888x1024xf32, #tpu.memory_space<hbm>>
    tpu.enqueue_indirect_dma source(%arg6 : memref<64x1024xf32, #tpu.memory_space<vmem>>) target(%dma_start3A_18 : memref<5888x1024xf32, #tpu.memory_space<hbm>>) offsets(%arg5 : memref<64xi32, #tpu.memory_space<vmem>>) semaphore(%arg7 : memref<!tpu.dma_semaphore, #tpu.memory_space<semaphore_mem>>)
    %dma_wait3A_19 = arith.constant 0 : i32
    %dma_wait3A_20 = arith.constant 0 : i32
    %dma_wait3A_21 = tpu.memref_slice %arg4[%dma_wait3A_19, %dma_wait3A_20] : memref<5888x1024xf32, #tpu.memory_space<hbm>> -> memref<5888x1024xf32, #tpu.memory_space<hbm>>
    tpu.wait_indirect_dma semaphore(%arg7 : memref<!tpu.dma_semaphore, #tpu.memory_space<semaphore_mem>>) src(%arg6 : memref<64x1024xf32, #tpu.memory_space<vmem>>) dst(%dma_wait3A_21 : memref<5888x1024xf32, #tpu.memory_space<hbm>>)
    return
  }
}

#map = affine_map<(d0, d1) -> (0, 0)>
#map1 = affine_map<(d0, d1) -> (0)>
module attributes {stable_mosaic.version = 14 : i64} {
  func.func @_sc_gather_body(%arg0: i32, %arg1: i32, %arg2: memref<5888x1024xf32, #tpu.memory_space<hbm>>, %arg3: memref<4096xi32, #tpu.memory_space<hbm>>, %arg4: memref<4096x1024xf32, #tpu.memory_space<hbm>>, %arg5: memref<64xi32, #tpu.memory_space<vmem>>, %arg6: memref<64x1024xf32, #tpu.memory_space<vmem>>, %arg7: memref<!tpu.dma_semaphore, #tpu.memory_space<semaphore_mem>>) attributes {dimension_semantics = [#tpu.dimension_semantics<core_parallel>, #tpu.dimension_semantics<subcore_parallel>], iteration_bounds = array<i64: 2, 16>, scalar_prefetch = 0 : i64, scratch_operands = 3 : i64, tpu.core_type = #tpu.core_type<sc_vector_subcore>, window_params = [{transform_indices = #map}, {transform_indices = #map1}, {transform_indices = #map}]} {
    %mul3A = arith.constant 2 : i32
    %mul3A_0 = arith.muli %arg1, %mul3A : i32
    %add3A = arith.addi %mul3A_0, %arg0 : i32
    %mul3A_1 = arith.constant 128 : i32
    %mul3A_2 = arith.muli %add3A, %mul3A_1 : i32
    %add3A_3 = arith.constant 0 : i32
    %add3A_4 = arith.addi %mul3A_2, %add3A_3 : i32
    "tpu.region"() ({
      %run_scoped3A = tpu.sem_alloc : memref<!tpu.dma_semaphore, #tpu.memory_space<semaphore_mem>>
      %dma_start3A_19 = tpu.memref_slice %arg3[%add3A_4] : memref<4096xi32, #tpu.memory_space<hbm>> -> memref<64xi32, #tpu.memory_space<hbm>>
      %dma_start3A_20 = tpu.memref_slice %arg3[%add3A_4] : memref<4096xi32, #tpu.memory_space<hbm>> -> memref<64xi32, #tpu.memory_space<hbm>>
      tpu.enqueue_dma source(%dma_start3A_20 : memref<64xi32, #tpu.memory_space<hbm>>) target(%arg5 : memref<64xi32, #tpu.memory_space<vmem>>) target_semaphore(%run_scoped3A : memref<!tpu.dma_semaphore, #tpu.memory_space<semaphore_mem>>)
      %dma_wait3A_21 = tpu.memref_slice %arg3[%add3A_4] : memref<4096xi32, #tpu.memory_space<hbm>> -> memref<64xi32, #tpu.memory_space<hbm>>
      %dma_wait3A_22 = tpu.memref_slice %arg3[%add3A_4] : memref<4096xi32, #tpu.memory_space<hbm>> -> memref<64xi32, #tpu.memory_space<hbm>>
      tpu.wait_dma2 semaphore(%run_scoped3A : memref<!tpu.dma_semaphore, #tpu.memory_space<semaphore_mem>>) src(%dma_wait3A_22 : memref<64xi32, #tpu.memory_space<hbm>>) dst(%arg5 : memref<64xi32, #tpu.memory_space<vmem>>)
      tpu.yield
    }) : () -> ()
    %dma_start3A = arith.constant 0 : i32
    %dma_start3A_5 = arith.constant 0 : i32
    %dma_start3A_6 = tpu.memref_slice %arg2[%dma_start3A, %dma_start3A_5] : memref<5888x1024xf32, #tpu.memory_space<hbm>> -> memref<5888x1024xf32, #tpu.memory_space<hbm>>
    tpu.enqueue_indirect_dma source(%dma_start3A_6 : memref<5888x1024xf32, #tpu.memory_space<hbm>>) target(%arg6 : memref<64x1024xf32, #tpu.memory_space<vmem>>) offsets(%arg5 : memref<64xi32, #tpu.memory_space<vmem>>) semaphore(%arg7 : memref<!tpu.dma_semaphore, #tpu.memory_space<semaphore_mem>>)
    %dma_wait3A = arith.constant 0 : i32
    %dma_wait3A_7 = arith.constant 0 : i32
    %dma_wait3A_8 = tpu.memref_slice %arg2[%dma_wait3A, %dma_wait3A_7] : memref<5888x1024xf32, #tpu.memory_space<hbm>> -> memref<5888x1024xf32, #tpu.memory_space<hbm>>
    tpu.wait_indirect_dma semaphore(%arg7 : memref<!tpu.dma_semaphore, #tpu.memory_space<semaphore_mem>>) src(%dma_wait3A_8 : memref<5888x1024xf32, #tpu.memory_space<hbm>>) dst(%arg6 : memref<64x1024xf32, #tpu.memory_space<vmem>>)
    "tpu.region"() ({
      %run_scoped3A = tpu.sem_alloc : memref<!tpu.dma_semaphore, #tpu.memory_space<semaphore_mem>>
      %dma_start3A_19 = arith.constant 0 : i32
      %dma_start3A_20 = tpu.memref_slice %arg4[%add3A_4, %dma_start3A_19] : memref<4096x1024xf32, #tpu.memory_space<hbm>> -> memref<64x1024xf32, #tpu.memory_space<hbm>>
      %dma_start3A_21 = arith.constant 0 : i32
      %dma_start3A_22 = tpu.memref_slice %arg4[%add3A_4, %dma_start3A_21] : memref<4096x1024xf32, #tpu.memory_space<hbm>> -> memref<64x1024xf32, #tpu.memory_space<hbm>>
      tpu.enqueue_dma source(%arg6 : memref<64x1024xf32, #tpu.memory_space<vmem>>) target(%dma_start3A_22 : memref<64x1024xf32, #tpu.memory_space<hbm>>) target_semaphore(%run_scoped3A : memref<!tpu.dma_semaphore, #tpu.memory_space<semaphore_mem>>)
      %dma_wait3A_23 = arith.constant 0 : i32
      %dma_wait3A_24 = tpu.memref_slice %arg4[%add3A_4, %dma_wait3A_23] : memref<4096x1024xf32, #tpu.memory_space<hbm>> -> memref<64x1024xf32, #tpu.memory_space<hbm>>
      %dma_wait3A_25 = arith.constant 0 : i32
      %dma_wait3A_26 = tpu.memref_slice %arg4[%add3A_4, %dma_wait3A_25] : memref<4096x1024xf32, #tpu.memory_space<hbm>> -> memref<64x1024xf32, #tpu.memory_space<hbm>>
      tpu.wait_dma2 semaphore(%run_scoped3A : memref<!tpu.dma_semaphore, #tpu.memory_space<semaphore_mem>>) src(%arg6 : memref<64x1024xf32, #tpu.memory_space<vmem>>) dst(%dma_wait3A_26 : memref<64x1024xf32, #tpu.memory_space<hbm>>)
      tpu.yield
    }) : () -> ()
    %mul3A_9 = arith.constant 128 : i32
    %mul3A_10 = arith.muli %add3A, %mul3A_9 : i32
    %add3A_11 = arith.constant 64 : i32
    %add3A_12 = arith.addi %mul3A_10, %add3A_11 : i32
    "tpu.region"() ({
      %run_scoped3A = tpu.sem_alloc : memref<!tpu.dma_semaphore, #tpu.memory_space<semaphore_mem>>
      %dma_start3A_19 = tpu.memref_slice %arg3[%add3A_12] : memref<4096xi32, #tpu.memory_space<hbm>> -> memref<64xi32, #tpu.memory_space<hbm>>
      %dma_start3A_20 = tpu.memref_slice %arg3[%add3A_12] : memref<4096xi32, #tpu.memory_space<hbm>> -> memref<64xi32, #tpu.memory_space<hbm>>
      tpu.enqueue_dma source(%dma_start3A_20 : memref<64xi32, #tpu.memory_space<hbm>>) target(%arg5 : memref<64xi32, #tpu.memory_space<vmem>>) target_semaphore(%run_scoped3A : memref<!tpu.dma_semaphore, #tpu.memory_space<semaphore_mem>>)
      %dma_wait3A_21 = tpu.memref_slice %arg3[%add3A_12] : memref<4096xi32, #tpu.memory_space<hbm>> -> memref<64xi32, #tpu.memory_space<hbm>>
      %dma_wait3A_22 = tpu.memref_slice %arg3[%add3A_12] : memref<4096xi32, #tpu.memory_space<hbm>> -> memref<64xi32, #tpu.memory_space<hbm>>
      tpu.wait_dma2 semaphore(%run_scoped3A : memref<!tpu.dma_semaphore, #tpu.memory_space<semaphore_mem>>) src(%dma_wait3A_22 : memref<64xi32, #tpu.memory_space<hbm>>) dst(%arg5 : memref<64xi32, #tpu.memory_space<vmem>>)
      tpu.yield
    }) : () -> ()
    %dma_start3A_13 = arith.constant 0 : i32
    %dma_start3A_14 = arith.constant 0 : i32
    %dma_start3A_15 = tpu.memref_slice %arg2[%dma_start3A_13, %dma_start3A_14] : memref<5888x1024xf32, #tpu.memory_space<hbm>> -> memref<5888x1024xf32, #tpu.memory_space<hbm>>
    tpu.enqueue_indirect_dma source(%dma_start3A_15 : memref<5888x1024xf32, #tpu.memory_space<hbm>>) target(%arg6 : memref<64x1024xf32, #tpu.memory_space<vmem>>) offsets(%arg5 : memref<64xi32, #tpu.memory_space<vmem>>) semaphore(%arg7 : memref<!tpu.dma_semaphore, #tpu.memory_space<semaphore_mem>>)
    %dma_wait3A_16 = arith.constant 0 : i32
    %dma_wait3A_17 = arith.constant 0 : i32
    %dma_wait3A_18 = tpu.memref_slice %arg2[%dma_wait3A_16, %dma_wait3A_17] : memref<5888x1024xf32, #tpu.memory_space<hbm>> -> memref<5888x1024xf32, #tpu.memory_space<hbm>>
    tpu.wait_indirect_dma semaphore(%arg7 : memref<!tpu.dma_semaphore, #tpu.memory_space<semaphore_mem>>) src(%dma_wait3A_18 : memref<5888x1024xf32, #tpu.memory_space<hbm>>) dst(%arg6 : memref<64x1024xf32, #tpu.memory_space<vmem>>)
    "tpu.region"() ({
      %run_scoped3A = tpu.sem_alloc : memref<!tpu.dma_semaphore, #tpu.memory_space<semaphore_mem>>
      %dma_start3A_19 = arith.constant 0 : i32
      %dma_start3A_20 = tpu.memref_slice %arg4[%add3A_12, %dma_start3A_19] : memref<4096x1024xf32, #tpu.memory_space<hbm>> -> memref<64x1024xf32, #tpu.memory_space<hbm>>
      %dma_start3A_21 = arith.constant 0 : i32
      %dma_start3A_22 = tpu.memref_slice %arg4[%add3A_12, %dma_start3A_21] : memref<4096x1024xf32, #tpu.memory_space<hbm>> -> memref<64x1024xf32, #tpu.memory_space<hbm>>
      tpu.enqueue_dma source(%arg6 : memref<64x1024xf32, #tpu.memory_space<vmem>>) target(%dma_start3A_22 : memref<64x1024xf32, #tpu.memory_space<hbm>>) target_semaphore(%run_scoped3A : memref<!tpu.dma_semaphore, #tpu.memory_space<semaphore_mem>>)
      %dma_wait3A_23 = arith.constant 0 : i32
      %dma_wait3A_24 = tpu.memref_slice %arg4[%add3A_12, %dma_wait3A_23] : memref<4096x1024xf32, #tpu.memory_space<hbm>> -> memref<64x1024xf32, #tpu.memory_space<hbm>>
      %dma_wait3A_25 = arith.constant 0 : i32
      %dma_wait3A_26 = tpu.memref_slice %arg4[%add3A_12, %dma_wait3A_25] : memref<4096x1024xf32, #tpu.memory_space<hbm>> -> memref<64x1024xf32, #tpu.memory_space<hbm>>
      tpu.wait_dma2 semaphore(%run_scoped3A : memref<!tpu.dma_semaphore, #tpu.memory_space<semaphore_mem>>) src(%arg6 : memref<64x1024xf32, #tpu.memory_space<vmem>>) dst(%dma_wait3A_26 : memref<64x1024xf32, #tpu.memory_space<hbm>>)
      tpu.yield
    }) : () -> ()
    return
  }
}

module attributes {stable_mosaic.version = 14 : i64} {
  func.func @_gemm_body(%arg0: i32, %arg1: memref<24xi32, #tpu.memory_space<smem>>, %arg2: memref<256x1024xf32, #tpu.memory_space<vmem>>, %arg3: memref<1x1024x1024xf32, #tpu.memory_space<vmem>>, %arg4: memref<1x1024x1024xf32, #tpu.memory_space<vmem>>, %arg5: memref<1x1024x1024xf32, #tpu.memory_space<vmem>>, %arg6: memref<256x1024xf32, #tpu.memory_space<vmem>>) attributes {dimension_semantics = [#tpu.dimension_semantics<arbitrary>], iteration_bounds = array<i64: 23>, scalar_prefetch = 1 : i64, scratch_operands = 0 : i64, tpu.core_type = #tpu.core_type<tc>, window_params = [{transform_indices = @transform_0, window_bounds = array<i64: 256, 1024>}, {transform_indices = @transform_1, window_bounds = array<i64: 1, 1024, 1024>}, {transform_indices = @transform_2, window_bounds = array<i64: 1, 1024, 1024>}, {transform_indices = @transform_3, window_bounds = array<i64: 1, 1024, 1024>}, {transform_indices = @transform_4, window_bounds = array<i64: 256, 1024>}]} {
    %get3A = arith.constant 23 : index
    %get3A_0 = memref.load %arg1[%get3A] : memref<24xi32, #tpu.memory_space<smem>>
    %lt3A = arith.cmpi slt, %arg0, %get3A_0 : i32
    %convert_element_type3A = arith.extui %lt3A : i1 to i32
    %cond3A = arith.constant 0 : i32
    %cond3A_1 = arith.cmpi ne, %convert_element_type3A, %cond3A : i32
    scf.if %cond3A_1 {
      %get3A_2 = arith.constant 0 : index
      %get3A_3 = arith.constant 0 : index
      %get3A_4 = vector.load %arg2[%get3A_2, %get3A_3] : memref<256x1024xf32, #tpu.memory_space<vmem>>, vector<256x1024xf32>
      %convert_element_type3A_5 = arith.truncf %get3A_4 : vector<256x1024xf32> to vector<256x1024xbf16>
      %get3A_6 = arith.constant 0 : index
      %get3A_7 = arith.constant 0 : index
      %get3A_8 = arith.constant 0 : index
      %get3A_9 = vector.load %arg3[%get3A_6, %get3A_7, %get3A_8] : memref<1x1024x1024xf32, #tpu.memory_space<vmem>>, vector<1x1024x1024xf32>
      %get3A_10 = vector.shape_cast %get3A_9 : vector<1x1024x1024xf32> to vector<1024x1024xf32>
      %convert_element_type3A_11 = arith.truncf %get3A_10 : vector<1024x1024xf32> to vector<1024x1024xbf16>
      %get3A_12 = arith.constant 0 : index
      %get3A_13 = arith.constant 0 : index
      %get3A_14 = arith.constant 0 : index
      %get3A_15 = vector.load %arg4[%get3A_12, %get3A_13, %get3A_14] : memref<1x1024x1024xf32, #tpu.memory_space<vmem>>, vector<1x1024x1024xf32>
      %get3A_16 = vector.shape_cast %get3A_15 : vector<1x1024x1024xf32> to vector<1024x1024xf32>
      %convert_element_type3A_17 = arith.truncf %get3A_16 : vector<1024x1024xf32> to vector<1024x1024xbf16>
      %get3A_18 = arith.constant 0 : index
      %get3A_19 = arith.constant 0 : index
      %get3A_20 = arith.constant 0 : index
      %get3A_21 = vector.load %arg5[%get3A_18, %get3A_19, %get3A_20] : memref<1x1024x1024xf32, #tpu.memory_space<vmem>>, vector<1x1024x1024xf32>
      %get3A_22 = vector.shape_cast %get3A_21 : vector<1x1024x1024xf32> to vector<1024x1024xf32>
      %convert_element_type3A_23 = arith.truncf %get3A_22 : vector<1024x1024xf32> to vector<1024x1024xbf16>
      %dot_general3A = arith.constant dense<0.000000e+00> : vector<256x1024xf32>
      %dot_general3A_24 = tpu.matmul %convert_element_type3A_5, %convert_element_type3A_11, %dot_general3A {dimension_numbers = #tpu.dot_dimension_numbers<[1], [1], [0], [0], [0, 0, 1, 0], [], []>, transpose_lhs_hint = false} : vector<256x1024xbf16>, vector<1024x1024xbf16>, vector<256x1024xf32> -> vector<256x1024xf32>
      %dot_general3A_25 = arith.constant dense<0.000000e+00> : vector<256x1024xf32>
      %dot_general3A_26 = tpu.matmul %convert_element_type3A_5, %convert_element_type3A_17, %dot_general3A_25 {dimension_numbers = #tpu.dot_dimension_numbers<[1], [1], [0], [0], [0, 0, 1, 0], [], []>, transpose_lhs_hint = false} : vector<256x1024xbf16>, vector<1024x1024xbf16>, vector<256x1024xf32> -> vector<256x1024xf32>
      %logistic3A = arith.negf %dot_general3A_24 : vector<256x1024xf32>
      %logistic3A_27 = math.exp %logistic3A : vector<256x1024xf32>
      %logistic3A_28 = arith.constant 1.000000e+00 : f32
      %logistic3A_29 = vector.broadcast %logistic3A_28 : f32 to vector<256x1024xf32>
      %logistic3A_30 = arith.addf %logistic3A_29, %logistic3A_27 : vector<256x1024xf32>
      %logistic3A_31 = arith.divf %logistic3A_29, %logistic3A_30 : vector<256x1024xf32>
      %mul3A = arith.mulf %dot_general3A_24, %logistic3A_31 : vector<256x1024xf32>
      %mul3A_32 = arith.mulf %mul3A, %dot_general3A_26 : vector<256x1024xf32>
      %convert_element_type3A_33 = arith.truncf %mul3A_32 : vector<256x1024xf32> to vector<256x1024xbf16>
      %dot_general3A_34 = arith.constant dense<0.000000e+00> : vector<256x1024xf32>
      %dot_general3A_35 = tpu.matmul %convert_element_type3A_33, %convert_element_type3A_23, %dot_general3A_34 {dimension_numbers = #tpu.dot_dimension_numbers<[1], [1], [0], [0], [0, 0, 1, 0], [], []>, transpose_lhs_hint = false} : vector<256x1024xbf16>, vector<1024x1024xbf16>, vector<256x1024xf32> -> vector<256x1024xf32>
      %swap3A = arith.constant 0 : index
      %swap3A_36 = arith.constant 0 : index
      %swap3A_37 = vector.load %arg6[%swap3A, %swap3A_36] : memref<256x1024xf32, #tpu.memory_space<vmem>>, vector<256x1024xf32>
      tpu.vector_store %arg6[%swap3A, %swap3A_36], %dot_general3A_35 {strides = array<i32>} : memref<256x1024xf32, #tpu.memory_space<vmem>>, vector<256x1024xf32>,
    } else {
    }
    return
  }
  func.func @transform_0(%arg0: i32, %arg1: memref<24xi32, #tpu.memory_space<smem>>) -> (i32, i32) {
    %c0_i32 = arith.constant 0 : i32
    %c0_i32_0 = arith.constant 0 : i32
    return %arg0, %c0_i32 : i32, i32
  }
  func.func @transform_1(%arg0: i32, %arg1: memref<24xi32, #tpu.memory_space<smem>>) -> (i32, i32, i32) {
    %get3A = arith.index_cast %arg0 : i32 to index
    %get3A_0 = memref.load %arg1[%get3A] : memref<24xi32, #tpu.memory_space<smem>>
    %c0_i32 = arith.constant 0 : i32
    %c0_i32_1 = arith.constant 0 : i32
    %c0_i32_2 = arith.constant 0 : i32
    return %get3A_0, %c0_i32, %c0_i32_1 : i32, i32, i32
  }
  func.func @transform_2(%arg0: i32, %arg1: memref<24xi32, #tpu.memory_space<smem>>) -> (i32, i32, i32) {
    %get3A = arith.index_cast %arg0 : i32 to index
    %get3A_0 = memref.load %arg1[%get3A] : memref<24xi32, #tpu.memory_space<smem>>
    %c0_i32 = arith.constant 0 : i32
    %c0_i32_1 = arith.constant 0 : i32
    %c0_i32_2 = arith.constant 0 : i32
    return %get3A_0, %c0_i32, %c0_i32_1 : i32, i32, i32
  }
  func.func @transform_3(%arg0: i32, %arg1: memref<24xi32, #tpu.memory_space<smem>>) -> (i32, i32, i32) {
    %get3A = arith.index_cast %arg0 : i32 to index
    %get3A_0 = memref.load %arg1[%get3A] : memref<24xi32, #tpu.memory_space<smem>>
    %c0_i32 = arith.constant 0 : i32
    %c0_i32_1 = arith.constant 0 : i32
    %c0_i32_2 = arith.constant 0 : i32
    return %get3A_0, %c0_i32, %c0_i32_1 : i32, i32, i32
  }
  func.func @transform_4(%arg0: i32, %arg1: memref<24xi32, #tpu.memory_space<smem>>) -> (i32, i32) {
    %c0_i32 = arith.constant 0 : i32
    %c0_i32_0 = arith.constant 0 : i32
    return %arg0, %c0_i32 : i32, i32
  }
}

module attributes {stable_mosaic.version = 14 : i64} {
  func.func @_router_body(%arg0: memref<2048x1024xf32, #tpu.memory_space<vmem>>, %arg1: memref<8x1024xf32, #tpu.memory_space<vmem>>, %arg2: memref<1024x1024xbf16, #tpu.memory_space<vmem>>, %arg3: memref<2048x8xf32, #tpu.memory_space<vmem>>, %arg4: memref<4096xi32, #tpu.memory_space<vmem>>, %arg5: memref<1x128xi32, #tpu.memory_space<vmem>>, %arg6: memref<2048xf32, #tpu.memory_space<vmem>>, %arg7: memref<2048xf32, #tpu.memory_space<vmem>>) attributes {dimension_semantics = [], scalar_prefetch = 0 : i64, scratch_operands = 0 : i64, tpu.core_type = #tpu.core_type<tc>} {
    %get3A = arith.constant 0 : index
    %get3A_0 = arith.constant 0 : index
    %get3A_1 = vector.load %arg0[%get3A, %get3A_0] : memref<2048x1024xf32, #tpu.memory_space<vmem>>, vector<2048x1024xf32>
    %get3A_2 = arith.constant 0 : index
    %get3A_3 = arith.constant 0 : index
    %get3A_4 = vector.load %arg1[%get3A_2, %get3A_3] : memref<8x1024xf32, #tpu.memory_space<vmem>>, vector<8x1024xf32>
    %dot_general3A = arith.constant dense<0.000000e+00> : vector<2048x8xf32>
    %dot_general3A_5 = tpu.matmul %get3A_1, %get3A_4, %dot_general3A {dimension_numbers = #tpu.dot_dimension_numbers<[1], [1], [0], [0], [0, 0, 1, 0], [], []>, transpose_lhs_hint = false} : vector<2048x1024xf32>, vector<8x1024xf32>, vector<2048x8xf32> -> vector<2048x8xf32>
    %swap3A = arith.constant 0 : index
    %swap3A_6 = arith.constant 0 : index
    %swap3A_7 = vector.load %arg3[%swap3A, %swap3A_6] : memref<2048x8xf32, #tpu.memory_space<vmem>>, vector<2048x8xf32>
    tpu.vector_store %arg3[%swap3A, %swap3A_6], %dot_general3A_5 {strides = array<i32>} : memref<2048x8xf32, #tpu.memory_space<vmem>>, vector<2048x8xf32>,
    %reduce_max3A = arith.constant dense<0xFF800000> : vector<2048xf32>
    %reduce_max3A_8 = vector.multi_reduction <maximumf>, %dot_general3A_5, %reduce_max3A [1] : vector<2048x8xf32> to vector<2048xf32>
    %broadcast_in_dim3A = vector.shape_cast %reduce_max3A_8 : vector<2048xf32> to vector<2048x1xf32>
    %sub3A = vector.broadcast %broadcast_in_dim3A : vector<2048x1xf32> to vector<2048x8xf32>
    %sub3A_9 = arith.subf %dot_general3A_5, %sub3A : vector<2048x8xf32>
    %exp3A = math.exp %sub3A_9 : vector<2048x8xf32>
    %reduce_sum3A = arith.constant dense<0.000000e+00> : vector<2048xf32>
    %reduce_sum3A_10 = vector.multi_reduction <add>, %exp3A, %reduce_sum3A [1] : vector<2048x8xf32> to vector<2048xf32>
    %broadcast_in_dim3A_11 = vector.shape_cast %reduce_sum3A_10 : vector<2048xf32> to vector<2048x1xf32>
    %div3A = vector.broadcast %broadcast_in_dim3A_11 : vector<2048x1xf32> to vector<2048x8xf32>
    %div3A_12 = arith.divf %exp3A, %div3A : vector<2048x8xf32>
    %iota3A = tpu.iota {dimensions = array<i32: 1>} : vector<2048x8xi32>
    %argmax3A = tpu.reduce_index %div3A_12 {axis = 1 : i32, kind = #tpu.reduction_kind<arg_max>} : vector<2048x8xf32> -> vector<2048xi32>
    %reduce_max3A_13 = arith.constant dense<0xFF800000> : vector<2048xf32>
    %reduce_max3A_14 = vector.multi_reduction <maximumf>, %div3A_12, %reduce_max3A_13 [1] : vector<2048x8xf32> to vector<2048xf32>
    %broadcast_in_dim3A_15 = vector.shape_cast %argmax3A : vector<2048xi32> to vector<2048x1xi32>
    %eq3A = vector.broadcast %broadcast_in_dim3A_15 : vector<2048x1xi32> to vector<2048x8xi32>
    %eq3A_16 = arith.cmpi eq, %iota3A, %eq3A : vector<2048x8xi32>
    %jit3A = arith.constant -1.000000e+00 : f32
    %broadcast_in_dim3A_17 = vector.broadcast %jit3A : f32 to vector<2048x8xf32>
    %select_n3A = arith.select %eq3A_16, %broadcast_in_dim3A_17, %div3A_12 : vector<2048x8xi1>, vector<2048x8xf32>
    %argmax3A_18 = tpu.reduce_index %select_n3A {axis = 1 : i32, kind = #tpu.reduction_kind<arg_max>} : vector<2048x8xf32> -> vector<2048xi32>
    %reduce_max3A_19 = arith.constant dense<0xFF800000> : vector<2048xf32>
    %reduce_max3A_20 = vector.multi_reduction <maximumf>, %select_n3A, %reduce_max3A_19 [1] : vector<2048x8xf32> to vector<2048xf32>
    %add3A = arith.addf %reduce_max3A_14, %reduce_max3A_20 : vector<2048xf32>
    %div3A_21 = arith.divf %reduce_max3A_14, %add3A : vector<2048xf32>
    %swap3A_22 = arith.constant 0 : index
    %swap3A_23 = vector.load %arg6[%swap3A_22] : memref<2048xf32, #tpu.memory_space<vmem>>, vector<2048xf32>
    tpu.vector_store %arg6[%swap3A_22], %div3A_21 {strides = array<i32>} : memref<2048xf32, #tpu.memory_space<vmem>>, vector<2048xf32>,
    %div3A_24 = arith.divf %reduce_max3A_20, %add3A : vector<2048xf32>
    %swap3A_25 = arith.constant 0 : index
    %swap3A_26 = vector.load %arg7[%swap3A_25] : memref<2048xf32, #tpu.memory_space<vmem>>, vector<2048xf32>
    tpu.vector_store %arg7[%swap3A_25], %div3A_24 {strides = array<i32>} : memref<2048xf32, #tpu.memory_space<vmem>>, vector<2048xf32>,
    %broadcast_in_dim3A_27 = vector.shape_cast %argmax3A_18 : vector<2048xi32> to vector<2048x1xi32>
    %eq3A_28 = vector.broadcast %broadcast_in_dim3A_27 : vector<2048x1xi32> to vector<2048x8xi32>
    %eq3A_29 = arith.cmpi eq, %iota3A, %eq3A_28 : vector<2048x8xi32>
    %get3A_30 = arith.constant 0 : index
    %get3A_31 = arith.constant 0 : index
    %get3A_32 = vector.load %arg2[%get3A_30, %get3A_31] : memref<1024x1024xbf16, #tpu.memory_space<vmem>>, vector<1024x1024xbf16>
    %slice3A = vector.extract_strided_slice %eq3A_16 {offsets = [0, 0], sizes = [1024, 8], strides = [1, 1]} : vector<2048x8xi1> to vector<1024x8xi1>
    %slice3A_33 = vector.extract_strided_slice %eq3A_16 {offsets = [1024, 0], sizes = [1024, 8], strides = [1, 1]} : vector<2048x8xi1> to vector<1024x8xi1>
    %slice3A_34 = vector.extract_strided_slice %eq3A_29 {offsets = [0, 0], sizes = [1024, 8], strides = [1, 1]} : vector<2048x8xi1> to vector<1024x8xi1>
    %slice3A_35 = vector.extract_strided_slice %eq3A_29 {offsets = [1024, 0], sizes = [1024, 8], strides = [1, 1]} : vector<2048x8xi1> to vector<1024x8xi1>
    %broadcast_in_dim3A_36 = arith.constant 0.000000e+00 : f32
    %broadcast_in_dim3A_37 = vector.broadcast %broadcast_in_dim3A_36 : f32 to vector<1x8xf32>
    %convert_element_type3A = arith.extui %slice3A : vector<1024x8xi1> to vector<1024x8xi32>
    %convert_element_type3A_38 = arith.sitofp %convert_element_type3A : vector<1024x8xi32> to vector<1024x8xf32>
    %convert_element_type3A_39 = arith.truncf %convert_element_type3A_38 : vector<1024x8xf32> to vector<1024x8xbf16>
    %dot_general3A_40 = arith.constant dense<0.000000e+00> : vector<1024x8xf32>
    %dot_general3A_41 = tpu.matmul %get3A_32, %convert_element_type3A_39, %dot_general3A_40 {dimension_numbers = #tpu.dot_dimension_numbers<[1], [0], [0], [1], [0, 0, 1, 1], [], []>, transpose_lhs_hint = false} : vector<1024x1024xbf16>, vector<1024x8xbf16>, vector<1024x8xf32> -> vector<1024x8xf32>
    %slice3A_42 = vector.extract_strided_slice %dot_general3A_41 {offsets = [1023, 0], sizes = [1, 8], strides = [1, 1]} : vector<1024x8xf32> to vector<1x8xf32>
    %add3A_43 = arith.addf %broadcast_in_dim3A_37, %slice3A_42 : vector<1x8xf32>
    %convert_element_type3A_44 = arith.extui %slice3A_33 : vector<1024x8xi1> to vector<1024x8xi32>
    %convert_element_type3A_45 = arith.sitofp %convert_element_type3A_44 : vector<1024x8xi32> to vector<1024x8xf32>
    %convert_element_type3A_46 = arith.truncf %convert_element_type3A_45 : vector<1024x8xf32> to vector<1024x8xbf16>
    %dot_general3A_47 = arith.constant dense<0.000000e+00> : vector<1024x8xf32>
    %dot_general3A_48 = tpu.matmul %get3A_32, %convert_element_type3A_46, %dot_general3A_47 {dimension_numbers = #tpu.dot_dimension_numbers<[1], [0], [0], [1], [0, 0, 1, 1], [], []>, transpose_lhs_hint = false} : vector<1024x1024xbf16>, vector<1024x8xbf16>, vector<1024x8xf32> -> vector<1024x8xf32>
    %slice3A_49 = vector.extract_strided_slice %dot_general3A_48 {offsets = [1023, 0], sizes = [1, 8], strides = [1, 1]} : vector<1024x8xf32> to vector<1x8xf32>
    %add3A_50 = arith.addf %add3A_43, %slice3A_49 : vector<1x8xf32>
    %convert_element_type3A_51 = arith.extui %slice3A_34 : vector<1024x8xi1> to vector<1024x8xi32>
    %convert_element_type3A_52 = arith.sitofp %convert_element_type3A_51 : vector<1024x8xi32> to vector<1024x8xf32>
    %convert_element_type3A_53 = arith.truncf %convert_element_type3A_52 : vector<1024x8xf32> to vector<1024x8xbf16>
    %dot_general3A_54 = arith.constant dense<0.000000e+00> : vector<1024x8xf32>
    %dot_general3A_55 = tpu.matmul %get3A_32, %convert_element_type3A_53, %dot_general3A_54 {dimension_numbers = #tpu.dot_dimension_numbers<[1], [0], [0], [1], [0, 0, 1, 1], [], []>, transpose_lhs_hint = false} : vector<1024x1024xbf16>, vector<1024x8xbf16>, vector<1024x8xf32> -> vector<1024x8xf32>
    %slice3A_56 = vector.extract_strided_slice %dot_general3A_55 {offsets = [1023, 0], sizes = [1, 8], strides = [1, 1]} : vector<1024x8xf32> to vector<1x8xf32>
    %add3A_57 = arith.addf %add3A_50, %slice3A_56 : vector<1x8xf32>
    %convert_element_type3A_58 = arith.extui %slice3A_35 : vector<1024x8xi1> to vector<1024x8xi32>
    %convert_element_type3A_59 = arith.sitofp %convert_element_type3A_58 : vector<1024x8xi32> to vector<1024x8xf32>
    %convert_element_type3A_60 = arith.truncf %convert_element_type3A_59 : vector<1024x8xf32> to vector<1024x8xbf16>
    %dot_general3A_61 = arith.constant dense<0.000000e+00> : vector<1024x8xf32>
    %dot_general3A_62 = tpu.matmul %get3A_32, %convert_element_type3A_60, %dot_general3A_61 {dimension_numbers = #tpu.dot_dimension_numbers<[1], [0], [0], [1], [0, 0, 1, 1], [], []>, transpose_lhs_hint = false} : vector<1024x1024xbf16>, vector<1024x8xbf16>, vector<1024x8xf32> -> vector<1024x8xf32>
    %slice3A_63 = vector.extract_strided_slice %dot_general3A_62 {offsets = [1023, 0], sizes = [1, 8], strides = [1, 1]} : vector<1024x8xf32> to vector<1x8xf32>
    %add3A_64 = arith.addf %add3A_57, %slice3A_63 : vector<1x8xf32>
    %convert_element_type3A_65 = arith.extui %slice3A : vector<1024x8xi1> to vector<1024x8xi32>
    %convert_element_type3A_66 = arith.sitofp %convert_element_type3A_65 : vector<1024x8xi32> to vector<1024x8xf32>
    %add3A_67 = vector.broadcast %broadcast_in_dim3A_37 : vector<1x8xf32> to vector<1024x8xf32>
    %add3A_68 = arith.addf %dot_general3A_41, %add3A_67 : vector<1024x8xf32>
    %mul3A = arith.mulf %add3A_68, %convert_element_type3A_66 : vector<1024x8xf32>
    %reduce_sum3A_69 = arith.constant dense<0.000000e+00> : vector<1024xf32>
    %reduce_sum3A_70 = vector.multi_reduction <add>, %mul3A, %reduce_sum3A_69 [1] : vector<1024x8xf32> to vector<1024xf32>
    %sub3A_71 = arith.constant 1.000000e+00 : f32
    %sub3A_72 = vector.broadcast %sub3A_71 : f32 to vector<1024xf32>
    %sub3A_73 = arith.subf %reduce_sum3A_70, %sub3A_72 : vector<1024xf32>
    %convert_element_type3A_74 = arith.extui %slice3A_33 : vector<1024x8xi1> to vector<1024x8xi32>
    %convert_element_type3A_75 = arith.sitofp %convert_element_type3A_74 : vector<1024x8xi32> to vector<1024x8xf32>
    %add3A_76 = vector.broadcast %add3A_43 : vector<1x8xf32> to vector<1024x8xf32>
    %add3A_77 = arith.addf %dot_general3A_48, %add3A_76 : vector<1024x8xf32>
    %mul3A_78 = arith.mulf %add3A_77, %convert_element_type3A_75 : vector<1024x8xf32>
    %reduce_sum3A_79 = arith.constant dense<0.000000e+00> : vector<1024xf32>
    %reduce_sum3A_80 = vector.multi_reduction <add>, %mul3A_78, %reduce_sum3A_79 [1] : vector<1024x8xf32> to vector<1024xf32>
    %sub3A_81 = arith.constant 1.000000e+00 : f32
    %sub3A_82 = vector.broadcast %sub3A_81 : f32 to vector<1024xf32>
    %sub3A_83 = arith.subf %reduce_sum3A_80, %sub3A_82 : vector<1024xf32>
    %convert_element_type3A_84 = arith.extui %slice3A_34 : vector<1024x8xi1> to vector<1024x8xi32>
    %convert_element_type3A_85 = arith.sitofp %convert_element_type3A_84 : vector<1024x8xi32> to vector<1024x8xf32>
    %add3A_86 = vector.broadcast %add3A_50 : vector<1x8xf32> to vector<1024x8xf32>
    %add3A_87 = arith.addf %dot_general3A_55, %add3A_86 : vector<1024x8xf32>
    %mul3A_88 = arith.mulf %add3A_87, %convert_element_type3A_85 : vector<1024x8xf32>
    %reduce_sum3A_89 = arith.constant dense<0.000000e+00> : vector<1024xf32>
    %reduce_sum3A_90 = vector.multi_reduction <add>, %mul3A_88, %reduce_sum3A_89 [1] : vector<1024x8xf32> to vector<1024xf32>
    %sub3A_91 = arith.constant 1.000000e+00 : f32
    %sub3A_92 = vector.broadcast %sub3A_91 : f32 to vector<1024xf32>
    %sub3A_93 = arith.subf %reduce_sum3A_90, %sub3A_92 : vector<1024xf32>
    %convert_element_type3A_94 = arith.extui %slice3A_35 : vector<1024x8xi1> to vector<1024x8xi32>
    %convert_element_type3A_95 = arith.sitofp %convert_element_type3A_94 : vector<1024x8xi32> to vector<1024x8xf32>
    %add3A_96 = vector.broadcast %add3A_57 : vector<1x8xf32> to vector<1024x8xf32>
    %add3A_97 = arith.addf %dot_general3A_62, %add3A_96 : vector<1024x8xf32>
    %mul3A_98 = arith.mulf %add3A_97, %convert_element_type3A_95 : vector<1024x8xf32>
    %reduce_sum3A_99 = arith.constant dense<0.000000e+00> : vector<1024xf32>
    %reduce_sum3A_100 = vector.multi_reduction <add>, %mul3A_98, %reduce_sum3A_99 [1] : vector<1024x8xf32> to vector<1024xf32>
    %sub3A_101 = arith.constant 1.000000e+00 : f32
    %sub3A_102 = vector.broadcast %sub3A_101 : f32 to vector<1024xf32>
    %sub3A_103 = arith.subf %reduce_sum3A_100, %sub3A_102 : vector<1024xf32>
    %convert_element_type3A_104 = arith.fptosi %add3A_64 : vector<1x8xf32> to vector<1x8xi32>
    %add3A_105 = arith.constant 256 : i32
    %add3A_106 = vector.broadcast %add3A_105 : i32 to vector<1x8xi32>
    %add3A_107 = arith.addi %convert_element_type3A_104, %add3A_106 : vector<1x8xi32>
    %sub3A_108 = arith.constant 1 : i32
    %sub3A_109 = vector.broadcast %sub3A_108 : i32 to vector<1x8xi32>
    %sub3A_110 = arith.subi %add3A_107, %sub3A_109 : vector<1x8xi32>
    %jit3A_111 = arith.constant 256 : i32
    %div3A_112 = vector.broadcast %jit3A_111 : i32 to vector<1x8xi32>
    %div3A_113 = arith.divsi %sub3A_110, %div3A_112 : vector<1x8xi32>
    %sign3A = arith.constant 0 : i32
    %sign3A_114 = vector.broadcast %sign3A : i32 to vector<1x8xi32>
    %sign3A_115 = arith.cmpi sgt, %sub3A_110, %sign3A_114 : vector<1x8xi32>
    %sign3A_116 = arith.extui %sign3A_115 : vector<1x8xi1> to vector<1x8xi32>
    %sign3A_117 = arith.constant 0 : i32
    %sign3A_118 = vector.broadcast %sign3A_117 : i32 to vector<1x8xi32>
    %sign3A_119 = arith.cmpi slt, %sub3A_110, %sign3A_118 : vector<1x8xi32>
    %sign3A_120 = arith.extui %sign3A_119 : vector<1x8xi1> to vector<1x8xi32>
    %sign3A_121 = arith.subi %sign3A_116, %sign3A_120 : vector<1x8xi32>
    %sign3A_122 = arith.constant 0 : i32
    %sign3A_123 = arith.cmpi sgt, %jit3A_111, %sign3A_122 : i32
    %sign3A_124 = arith.extui %sign3A_123 : i1 to i32
    %sign3A_125 = arith.constant 0 : i32
    %sign3A_126 = arith.cmpi slt, %jit3A_111, %sign3A_125 : i32
    %sign3A_127 = arith.extui %sign3A_126 : i1 to i32
    %sign3A_128 = arith.subi %sign3A_124, %sign3A_127 : i32
    %ne3A = vector.broadcast %sign3A_128 : i32 to vector<1x8xi32>
    %ne3A_129 = arith.cmpi ne, %sign3A_121, %ne3A : vector<1x8xi32>
    %rem3A = vector.broadcast %jit3A_111 : i32 to vector<1x8xi32>
    %rem3A_130 = arith.remsi %sub3A_110, %rem3A : vector<1x8xi32>
    %ne3A_131 = arith.constant 0 : i32
    %ne3A_132 = vector.broadcast %ne3A_131 : i32 to vector<1x8xi32>
    %ne3A_133 = arith.cmpi ne, %rem3A_130, %ne3A_132 : vector<1x8xi32>
    %and3A = arith.andi %ne3A_129, %ne3A_133 : vector<1x8xi1>
    %sub3A_134 = arith.constant 1 : i32
    %sub3A_135 = vector.broadcast %sub3A_134 : i32 to vector<1x8xi32>
    %sub3A_136 = arith.subi %div3A_113, %sub3A_135 : vector<1x8xi32>
    %select_n3A_137 = arith.select %and3A, %sub3A_136, %div3A_113 : vector<1x8xi1>, vector<1x8xi32>
    %broadcast_in_dim3A_138 = arith.constant 0 : i32
    %broadcast_in_dim3A_139 = vector.broadcast %broadcast_in_dim3A_138 : i32 to vector<1x1xi32>
    %slice3A_140 = vector.extract_strided_slice %select_n3A_137 {offsets = [0, 0], sizes = [1, 7], strides = [1, 1]} : vector<1x8xi32> to vector<1x7xi32>
    %concatenate3A = tpu.concatenate %broadcast_in_dim3A_139, %slice3A_140 in 1 : vector<1x1xi32>, vector<1x7xi32> -> vector<1x8xi32>
    %add3A_141 = arith.addi %select_n3A_137, %concatenate3A : vector<1x8xi32>
    %broadcast_in_dim3A_142 = arith.constant 0 : i32
    %broadcast_in_dim3A_143 = vector.broadcast %broadcast_in_dim3A_142 : i32 to vector<1x2xi32>
    %slice3A_144 = vector.extract_strided_slice %add3A_141 {offsets = [0, 0], sizes = [1, 6], strides = [1, 1]} : vector<1x8xi32> to vector<1x6xi32>
    %concatenate3A_145 = tpu.concatenate %broadcast_in_dim3A_143, %slice3A_144 in 1 : vector<1x2xi32>, vector<1x6xi32> -> vector<1x8xi32>
    %add3A_146 = arith.addi %add3A_141, %concatenate3A_145 : vector<1x8xi32>
    %broadcast_in_dim3A_147 = arith.constant 0 : i32
    %broadcast_in_dim3A_148 = vector.broadcast %broadcast_in_dim3A_147 : i32 to vector<1x4xi32>
    %slice3A_149 = vector.extract_strided_slice %add3A_146 {offsets = [0, 0], sizes = [1, 4], strides = [1, 1]} : vector<1x8xi32> to vector<1x4xi32>
    %concatenate3A_150 = tpu.concatenate %broadcast_in_dim3A_148, %slice3A_149 in 1 : vector<1x4xi32>, vector<1x4xi32> -> vector<1x8xi32>
    %add3A_151 = arith.addi %add3A_146, %concatenate3A_150 : vector<1x8xi32>
    %sub3A_152 = arith.subi %add3A_151, %select_n3A_137 : vector<1x8xi32>
    %convert_element_type3A_153 = arith.sitofp %sub3A_152 : vector<1x8xi32> to vector<1x8xf32>
    %convert_element_type3A_154 = arith.extui %slice3A : vector<1024x8xi1> to vector<1024x8xi32>
    %convert_element_type3A_155 = arith.sitofp %convert_element_type3A_154 : vector<1024x8xi32> to vector<1024x8xf32>
    %mul3A_156 = vector.broadcast %convert_element_type3A_153 : vector<1x8xf32> to vector<1024x8xf32>
    %mul3A_157 = arith.mulf %mul3A_156, %convert_element_type3A_155 : vector<1024x8xf32>
    %reduce_sum3A_158 = arith.constant dense<0.000000e+00> : vector<1024xf32>
    %reduce_sum3A_159 = vector.multi_reduction <add>, %mul3A_157, %reduce_sum3A_158 [1] : vector<1024x8xf32> to vector<1024xf32>
    %mul3A_160 = arith.constant 2.560000e+02 : f32
    %mul3A_161 = vector.broadcast %mul3A_160 : f32 to vector<1024xf32>
    %mul3A_162 = arith.mulf %reduce_sum3A_159, %mul3A_161 : vector<1024xf32>
    %add3A_163 = arith.addf %mul3A_162, %sub3A_73 : vector<1024xf32>
    %convert_element_type3A_164 = arith.fptosi %add3A_163 : vector<1024xf32> to vector<1024xi32>
    %convert_element_type3A_165 = arith.extui %slice3A_33 : vector<1024x8xi1> to vector<1024x8xi32>
    %convert_element_type3A_166 = arith.sitofp %convert_element_type3A_165 : vector<1024x8xi32> to vector<1024x8xf32>
    %mul3A_167 = vector.broadcast %convert_element_type3A_153 : vector<1x8xf32> to vector<1024x8xf32>
    %mul3A_168 = arith.mulf %mul3A_167, %convert_element_type3A_166 : vector<1024x8xf32>
    %reduce_sum3A_169 = arith.constant dense<0.000000e+00> : vector<1024xf32>
    %reduce_sum3A_170 = vector.multi_reduction <add>, %mul3A_168, %reduce_sum3A_169 [1] : vector<1024x8xf32> to vector<1024xf32>
    %mul3A_171 = arith.constant 2.560000e+02 : f32
    %mul3A_172 = vector.broadcast %mul3A_171 : f32 to vector<1024xf32>
    %mul3A_173 = arith.mulf %reduce_sum3A_170, %mul3A_172 : vector<1024xf32>
    %add3A_174 = arith.addf %mul3A_173, %sub3A_83 : vector<1024xf32>
    %convert_element_type3A_175 = arith.fptosi %add3A_174 : vector<1024xf32> to vector<1024xi32>
    %convert_element_type3A_176 = arith.extui %slice3A_34 : vector<1024x8xi1> to vector<1024x8xi32>
    %convert_element_type3A_177 = arith.sitofp %convert_element_type3A_176 : vector<1024x8xi32> to vector<1024x8xf32>
    %mul3A_178 = vector.broadcast %convert_element_type3A_153 : vector<1x8xf32> to vector<1024x8xf32>
    %mul3A_179 = arith.mulf %mul3A_178, %convert_element_type3A_177 : vector<1024x8xf32>
    %reduce_sum3A_180 = arith.constant dense<0.000000e+00> : vector<1024xf32>
    %reduce_sum3A_181 = vector.multi_reduction <add>, %mul3A_179, %reduce_sum3A_180 [1] : vector<1024x8xf32> to vector<1024xf32>
    %mul3A_182 = arith.constant 2.560000e+02 : f32
    %mul3A_183 = vector.broadcast %mul3A_182 : f32 to vector<1024xf32>
    %mul3A_184 = arith.mulf %reduce_sum3A_181, %mul3A_183 : vector<1024xf32>
    %add3A_185 = arith.addf %mul3A_184, %sub3A_93 : vector<1024xf32>
    %convert_element_type3A_186 = arith.fptosi %add3A_185 : vector<1024xf32> to vector<1024xi32>
    %convert_element_type3A_187 = arith.extui %slice3A_35 : vector<1024x8xi1> to vector<1024x8xi32>
    %convert_element_type3A_188 = arith.sitofp %convert_element_type3A_187 : vector<1024x8xi32> to vector<1024x8xf32>
    %mul3A_189 = vector.broadcast %convert_element_type3A_153 : vector<1x8xf32> to vector<1024x8xf32>
    %mul3A_190 = arith.mulf %mul3A_189, %convert_element_type3A_188 : vector<1024x8xf32>
    %reduce_sum3A_191 = arith.constant dense<0.000000e+00> : vector<1024xf32>
    %reduce_sum3A_192 = vector.multi_reduction <add>, %mul3A_190, %reduce_sum3A_191 [1] : vector<1024x8xf32> to vector<1024xf32>
    %mul3A_193 = arith.constant 2.560000e+02 : f32
    %mul3A_194 = vector.broadcast %mul3A_193 : f32 to vector<1024xf32>
    %mul3A_195 = arith.mulf %reduce_sum3A_192, %mul3A_194 : vector<1024xf32>
    %add3A_196 = arith.addf %mul3A_195, %sub3A_103 : vector<1024xf32>
    %convert_element_type3A_197 = arith.fptosi %add3A_196 : vector<1024xf32> to vector<1024xi32>
    %concatenate3A_198 = tpu.concatenate %convert_element_type3A_164, %convert_element_type3A_175, %convert_element_type3A_186, %convert_element_type3A_197 in 0 : vector<1024xi32>, vector<1024xi32>, vector<1024xi32>, vector<1024xi32> -> vector<4096xi32>
    %swap3A_199 = arith.constant 0 : index
    %swap3A_200 = vector.load %arg4[%swap3A_199] : memref<4096xi32, #tpu.memory_space<vmem>>, vector<4096xi32>
    tpu.vector_store %arg4[%swap3A_199], %concatenate3A_198 {strides = array<i32>} : memref<4096xi32, #tpu.memory_space<vmem>>, vector<4096xi32>,
    %iota3A_201 = tpu.iota {dimensions = array<i32: 0>} : vector<128x8xi32>
    %broadcast_in_dim3A_202 = vector.shape_cast %add3A_151 : vector<1x8xi32> to vector<1x8xi32>
    %broadcast_in_dim3A_203 = vector.broadcast %broadcast_in_dim3A_202 : vector<1x8xi32> to vector<128x8xi32>
    %ge3A = arith.cmpi sge, %iota3A_201, %broadcast_in_dim3A_203 : vector<128x8xi32>
    %convert_element_type3A_204 = arith.extui %ge3A : vector<128x8xi1> to vector<128x8xi32>
    %reduce_sum3A_205 = arith.constant dense<0> : vector<128xi32>
    %reduce_sum3A_206 = vector.multi_reduction <add>, %convert_element_type3A_204, %reduce_sum3A_205 [1] : vector<128x8xi32> to vector<128xi32>
    %min3A = arith.constant 7 : i32
    %min3A_207 = vector.broadcast %min3A : i32 to vector<128xi32>
    %min3A_208 = arith.minsi %reduce_sum3A_206, %min3A_207 : vector<128xi32>
    %iota3A_209 = tpu.iota {dimensions = array<i32: 1>} : vector<1x128xi32>
    %iota3A_210 = vector.shape_cast %iota3A_209 : vector<1x128xi32> to vector<128xi32>
    %reduce_sum3A_211 = vector.shape_cast %select_n3A_137 : vector<1x8xi32> to vector<1x1x8xi32>
    %reduce_sum3A_212 = arith.constant dense<0> : vector<1xi32>
    %reduce_sum3A_213 = vector.multi_reduction <add>, %reduce_sum3A_211, %reduce_sum3A_212 [1, 2] : vector<1x1x8xi32> to vector<1xi32>
    %reduce_sum3A_214 = vector.shape_cast %reduce_sum3A_213 : vector<1xi32> to vector<1x1x1xi32>
    %reduce_sum3A_215 = vector.extract %reduce_sum3A_214[0, 0, 0] : i32 from vector<1x1x1xi32>
    %lt3A = arith.constant 23 : i32
    %lt3A_216 = vector.broadcast %lt3A : i32 to vector<128xi32>
    %lt3A_217 = arith.cmpi slt, %iota3A_210, %lt3A_216 : vector<128xi32>
    %eq3A_218 = arith.constant 23 : i32
    %eq3A_219 = vector.broadcast %eq3A_218 : i32 to vector<128xi32>
    %eq3A_220 = arith.cmpi eq, %iota3A_210, %eq3A_219 : vector<128xi32>
    %jit3A_221 = arith.constant 0 : i32
    %broadcast_in_dim3A_222 = vector.broadcast %reduce_sum3A_215 : i32 to vector<128xi32>
    %broadcast_in_dim3A_223 = vector.broadcast %jit3A_221 : i32 to vector<128xi32>
    %select_n3A_224 = arith.select %eq3A_220, %broadcast_in_dim3A_222, %broadcast_in_dim3A_223 : vector<128xi1>, vector<128xi32>
    %select_n3A_225 = arith.select %lt3A_217, %min3A_208, %select_n3A_224 : vector<128xi1>, vector<128xi32>
    %broadcast_in_dim3A_226 = vector.shape_cast %select_n3A_225 : vector<128xi32> to vector<1x128xi32>
    %swap3A_227 = arith.constant 0 : index
    %swap3A_228 = arith.constant 0 : index
    %swap3A_229 = vector.load %arg5[%swap3A_227, %swap3A_228] : memref<1x128xi32, #tpu.memory_space<vmem>>, vector<1x128xi32>
    tpu.vector_store %arg5[%swap3A_227, %swap3A_228], %broadcast_in_dim3A_226 {strides = array<i32>} : memref<1x128xi32, #tpu.memory_space<vmem>>, vector<1x128xi32>,
    return
  }
}

module attributes {stable_mosaic.version = 14 : i64} {
  func.func @_combine_body(%arg0: i32, %arg1: memref<1x512x1024xf32, #tpu.memory_space<vmem>>, %arg2: memref<1x512x1024xf32, #tpu.memory_space<vmem>>, %arg3: memref<512x1xf32, #tpu.memory_space<vmem>>, %arg4: memref<512x1xf32, #tpu.memory_space<vmem>>, %arg5: memref<512x1024xf32, #tpu.memory_space<vmem>>) attributes {dimension_semantics = [#tpu.dimension_semantics<arbitrary>], iteration_bounds = array<i64: 4>, scalar_prefetch = 0 : i64, scratch_operands = 0 : i64, tpu.core_type = #tpu.core_type<tc>, window_params = [{transform_indices = @transform_0, window_bounds = array<i64: 1, 512, 1024>}, {transform_indices = @transform_1, window_bounds = array<i64: 1, 512, 1024>}, {transform_indices = @transform_2, window_bounds = array<i64: 512, 1>}, {transform_indices = @transform_3, window_bounds = array<i64: 512, 1>}, {transform_indices = @transform_4, window_bounds = array<i64: 512, 1024>}]} {
    %get3A = arith.constant 0 : index
    %get3A_0 = arith.constant 0 : index
    %get3A_1 = arith.constant 0 : index
    %get3A_2 = vector.load %arg1[%get3A, %get3A_0, %get3A_1] : memref<1x512x1024xf32, #tpu.memory_space<vmem>>, vector<1x512x1024xf32>
    %get3A_3 = vector.shape_cast %get3A_2 : vector<1x512x1024xf32> to vector<512x1024xf32>
    %get3A_4 = arith.constant 0 : index
    %get3A_5 = arith.constant 0 : index
    %get3A_6 = vector.load %arg3[%get3A_4, %get3A_5] : memref<512x1xf32, #tpu.memory_space<vmem>>, vector<512x1xf32>
    %mul3A = vector.broadcast %get3A_6 : vector<512x1xf32> to vector<512x1024xf32>
    %mul3A_7 = arith.mulf %get3A_3, %mul3A : vector<512x1024xf32>
    %get3A_8 = arith.constant 0 : index
    %get3A_9 = arith.constant 0 : index
    %get3A_10 = arith.constant 0 : index
    %get3A_11 = vector.load %arg2[%get3A_8, %get3A_9, %get3A_10] : memref<1x512x1024xf32, #tpu.memory_space<vmem>>, vector<1x512x1024xf32>
    %get3A_12 = vector.shape_cast %get3A_11 : vector<1x512x1024xf32> to vector<512x1024xf32>
    %get3A_13 = arith.constant 0 : index
    %get3A_14 = arith.constant 0 : index
    %get3A_15 = vector.load %arg4[%get3A_13, %get3A_14] : memref<512x1xf32, #tpu.memory_space<vmem>>, vector<512x1xf32>
    %mul3A_16 = vector.broadcast %get3A_15 : vector<512x1xf32> to vector<512x1024xf32>
    %mul3A_17 = arith.mulf %get3A_12, %mul3A_16 : vector<512x1024xf32>
    %add3A = arith.addf %mul3A_7, %mul3A_17 : vector<512x1024xf32>
    %swap3A = arith.constant 0 : index
    %swap3A_18 = arith.constant 0 : index
    %swap3A_19 = vector.load %arg5[%swap3A, %swap3A_18] : memref<512x1024xf32, #tpu.memory_space<vmem>>, vector<512x1024xf32>
    tpu.vector_store %arg5[%swap3A, %swap3A_18], %add3A {strides = array<i32>} : memref<512x1024xf32, #tpu.memory_space<vmem>>, vector<512x1024xf32>,
    return
  }
  func.func @transform_0(%arg0: i32) -> (i32, i32, i32) {
    %c0_i32 = arith.constant 0 : i32
    %c0_i32_0 = arith.constant 0 : i32
    %c0_i32_1 = arith.constant 0 : i32
    return %c0_i32, %arg0, %c0_i32_0 : i32, i32, i32
  }
  func.func @transform_1(%arg0: i32) -> (i32, i32, i32) {
    %c1_i32 = arith.constant 1 : i32
    %c0_i32 = arith.constant 0 : i32
    %c0_i32_0 = arith.constant 0 : i32
    return %c1_i32, %arg0, %c0_i32 : i32, i32, i32
  }
  func.func @transform_2(%arg0: i32) -> (i32, i32) {
    %c0_i32 = arith.constant 0 : i32
    %c0_i32_0 = arith.constant 0 : i32
    return %arg0, %c0_i32 : i32, i32
  }
  func.func @transform_3(%arg0: i32) -> (i32, i32) {
    %c0_i32 = arith.constant 0 : i32
    %c0_i32_0 = arith.constant 0 : i32
    return %arg0, %c0_i32 : i32, i32
  }
  func.func @transform_4(%arg0: i32) -> (i32, i32) {
    %c0_i32 = arith.constant 0 : i32
    %c0_i32_0 = arith.constant 0 : i32
    return %arg0, %c0_i32 : i32, i32
  }
}

</mosaic_0001>

<sc_bundles>
// kernel: kernel.10.cloned.1.call-start
scs
__scs_entry_jumppad:
0x0: {  	(pc) =	sbr.rel $0x88, $3  }
0x1: {  	(tag) =	ssettag $0x0;
	lr =	simm.s32 $0x1  }
0x2: {  	[smem:$0x3F9C] =	sst lr;
	_ =	strace $0xD0000000  }
0x3: {  	_ = 	snop  }
0x4: {  	_ = 	snop  }
0x5: {  	_ = 	snop  }
0x6: {  	_ = 	snop  }
0x7: {  	_ = 	snop  }
__scs_overlays_trampoline_lowered:
0x8: {  	[smem:$0x3FAB] =	sst s0  }
0x9: {  	[smem:$0x3FAC] =	sst s1  }
0xa: {  	[smem:$0x3FAD] =	sst s2  }
0xb: {  	[smem:$0x3FAE] =	sst s3  }
0xc: {  	[smem:$0x3FAF] =	sst s4  }
0xd: {  	[smem:$0x3FB0] =	sst s5  }
0xe: {  	[smem:$0x3FB1] =	sst s6  }
0xf: {  	[smem:$0x3FB2] =	sst s7  }
0x10: {  	[smem:$0x3FB3] =	sst s8  }
0x11: {  	[smem:$0x3FB4] =	sst s9;
	s0 =	simm.s32 @!p0 $0x0  }
0x12: {  	s1 =	sld [smem:$0x3F9A];
	s0 =	simm.s32 @p0 $0x1  }
0x13: {  	[smem:$0x3FB5] =	sst s0;
	s0 =	simm.s32 @!p1 $0x0  }
0x14: {  	s2 =	sld [smem:$0x3F99];
	s0 =	simm.s32 @p1 $0x1  }
0x15: {  	[smem:$0x3FB6] =	sst s0;
	s0 =	simm.s32 @!p2 $0x0  }
0x16: {  	s3 =	sld [smem:$0x3FDB];
	s0 =	simm.s32 @p2 $0x1  }
0x17: {  	s4 =	simm.s32 $0x1BF5;
	[smem:$0x3FB8] =	sst s0  }
0x18: {  	s0 =	sld [smem:$0x3F9B];
	_ =	swait.ge [sflag:s4], $0x0  }
0x19: {  	s7 =	sld [smem:$0x3F9C]  }
0x1a: {  	s8 =	sadd.s32 $0xFFFFE003, lr  }
0x1b: {  	s9 =	sadd.s32 $0xFFFFFEF7, lr;
	s5 =	simm.s32 $0xFFFFFFFF;
	p2 =	slt.u32 s8, $0xFFFFF086  }
0x1c: {  	p1 =	slt.u32 s9, $0xF7A;
	s5 =	simm.s32 @!p2 $0x0  }
0x1d: {  	s5 =	simm.s32 @p1 $0x1;
	p0 =	seq.s32 s7, s2  }
0x1e: {  	s7 =	smul.u32 @!p0 $0xF7A, s2;
	p2 =	seq.s32 @!p0 s5, $0x0  }
0x1f: {  	s9 =	smul.u32 $0xF7A, s1;
	s8 =	simm.s32 @!p0 $0x1BF5;
	p2 =	por !p2, p0  }
0x20: {  	[sflag:s8] =	ssyncset.s32 @!p0 $0xFFFFF086;
	s6 =	sadd.s32 @!p0 s3, s7;
	s7 =	simm.s32 @!p0 $0x108  }
0x21: {  	s3 =	sadd.s32 s3, s9;
	s6 =	sadd.s32 @!p0 $0x88, s6;
	s7 =	simm.s32 @p2 $0x1082  }
0x22: {  	[simem:s7], [sflag:s8] =	dma.local @!p0 [hbm:s6], $0xF7A  }
0x23: {  	s9 =	sor.u32 $0xD0000000, s2;
	s6 =	simm.s32 $0x108;
	_ =	swait.ge @!p0 [sflag:s8], $0x0  }
0x24: {  	s3 =	sadd.s32 $0x88, s3;
	s6 =	simm.s32 @!p1 $0x1082;
	[sflag:s4] =	ssyncset.s32 $0xFFFFF086  }
0x25: {  	[simem:s6], [sflag:s4] =	dma.local [hbm:s3], $0xF7A  }
0x26: {  	[smem:$0x3F9C] =	sst s1;
	(tag) =	ssettag s2;
	_ =	strace s9  }
0x27: {  	s1 =	sld [smem:$0x3FAC]  }
0x28: {  	s2 =	sld [smem:$0x3FAD]  }
0x29: {  	s4 =	sld [smem:$0x3FAF]  }
0x2a: {  	p0 =	seq.s32 s5, $0x0;
	s5 =	sld [smem:$0x3FB0]  }
0x2b: {  	s6 =	sld [smem:$0x3FB1]  }
0x2c: {  	s7 =	sld [smem:$0x3FB2]  }
0x2d: {  	s3 =	simm.s32 $0x108;
	s8 =	sld [smem:$0x3FB3]  }
0x2e: {  	s3 =	simm.s32 @!p0 $0x1082;
	s9 =	sld [smem:$0x3FB4]  }
0x2f: {  	lr =	sadd.s32 s0, s3;
	s0 =	sld [smem:$0x3FAB]  }
0x30: {  	s3 =	sld [smem:$0x3FAE]  }
0x31: {  	[smem:$0x3FB7] =	sst s10  }
0x32: {  	s10 =	sld [smem:$0x3FB5];
	_ =	sdelay $0x3  }
0x33: {  	p0 =	seq.s32 s10, $0x1;
	s10 =	sld [smem:$0x3FB7];
	_ =	sdelay $0x3  }
0x34: {  	[smem:$0x3FB7] =	sst s10  }
0x35: {  	s10 =	sld [smem:$0x3FB6];
	_ =	sdelay $0x3  }
0x36: {  	p1 =	seq.s32 s10, $0x1;
	s10 =	sld [smem:$0x3FB7];
	_ =	sdelay $0x3  }
0x37: {  	[smem:$0x3FB7] =	sst s10  }
0x38: {  	s10 =	sld [smem:$0x3FB8]  }
0x39: {  	_ = 	snop;
	(pc) =	sbr.ind lr, $3  }
0x3a: {  	_ = 	snop  }
0x3b: {  	_ = 	snop  }
0x3c: {  	p2 =	seq.s32 s10, $0x1;
	s10 =	sld [smem:$0x3FB7]  }
0x3d: {  	_ =	shalt  }
0x3e: {  	_ =	shalt  }
0x3f: {  	_ =	shalt  }
0x40: {  	_ =	shalt  }
0x41: {  	_ =	shalt  }
0x42: {  	_ =	shalt  }
0x43: {  	_ =	shalt  }
0x44: {  	_ =	shalt  }
0x45: {  	_ =	shalt  }
0x46: {  	_ =	shalt  }
0x47: {  	_ =	shalt  }
0x48: {  	_ =	shalt  }
0x49: {  	_ =	shalt  }
0x4a: {  	_ =	shalt  }
0x4b: {  	_ =	shalt  }
0x4c: {  	_ =	shalt  }
0x4d: {  	_ =	shalt  }
0x4e: {  	_ =	shalt  }
0x4f: {  	_ =	shalt  }
0x50: {  	_ =	shalt  }
0x51: {  	_ =	shalt  }
0x52: {  	_ =	shalt  }
0x53: {  	_ =	shalt  }
0x54: {  	_ =	shalt  }
0x55: {  	_ =	shalt  }
0x56: {  	_ =	shalt  }
0x57: {  	_ =	shalt  }
0x58: {  	_ =	shalt  }
0x59: {  	_ =	shalt  }
0x5a: {  	_ =	shalt  }
0x5b: {  	_ =	shalt  }
0x5c: {  	_ =	shalt  }
0x5d: {  	_ =	shalt  }
0x5e: {  	_ =	shalt  }
0x5f: {  	_ =	shalt  }
0x60: {  	_ =	shalt  }
0x61: {  	_ =	shalt  }
0x62: {  	_ =	shalt  }
0x63: {  	_ =	shalt  }
0x64: {  	_ =	shalt  }
0x65: {  	_ =	shalt  }
0x66: {  	_ =	shalt  }
0x67: {  	_ =	shalt  }
0x68: {  	_ =	shalt  }
0x69: {  	_ =	shalt  }
0x6a: {  	_ =	shalt  }
0x6b: {  	_ =	shalt  }
0x6c: {  	_ =	shalt  }
0x6d: {  	_ =	shalt  }
0x6e: {  	_ =	shalt  }
0x6f: {  	_ =	shalt  }
0x70: {  	_ =	shalt  }
0x71: {  	_ =	shalt  }
0x72: {  	_ =	shalt  }
0x73: {  	_ =	shalt  }
0x74: {  	_ =	shalt  }
0x75: {  	_ =	shalt  }
0x76: {  	_ =	shalt  }
0x77: {  	_ =	shalt  }
0x78: {  	_ =	shalt  }
0x79: {  	_ =	shalt  }
0x7a: {  	_ =	shalt  }
0x7b: {  	_ =	shalt  }
0x7c: {  	_ =	shalt  }
0x7d: {  	_ =	shalt  }
0x7e: {  	_ =	shalt  }
0x7f: {  	_ =	shalt  }
0x80: {  	_ =	shalt  }
0x81: {  	_ =	shalt  }
0x82: {  	_ =	shalt  }
0x83: {  	_ =	shalt  }
0x84: {  	_ =	shalt  }
0x85: {  	_ =	shalt  }
0x86: {  	_ =	shalt  }
0x87: {  	_ =	shalt  }
.Lfunc_end0:
.L_simem_size_0:
called_computation.1_lowered:
.L_overlay_start_0:
0x88: {  	s2 =	sld [smem:$0x3FD9]  }
0x89: {  	s3 =	sld [smem:$0x3FFE];
	_ =	sdelay $0x1  }
0x8a: {  	s1 =	srdreg.scid  }
0x8b: {  	s0 =	sand.u32 $0x1, s1  }
0x8c: {  	s14 =	sshll.u32 s0, $0xA;
	s2 =	sadd.s32 s3, s2  }
0x8d: {  	s2 =	sadd.s32 s2, s14  }
0x8e: {  	[smem:$0x3FC3] =	sst s2  }
0x8f: {  	_ = 	snop  }
0x90: {  	s2 =	sld [smem:$0x3FD0];
	_ =	sdelay $0x2  }
0x91: {  	s15 =	simm.s32 $0xA;
	s4 =	simm.s32 $0x10  }
0x92: {  	[smem:s4], [sflag:s15] =	dma.local [hbm:s2], $0x1  }
0x93: {  	_ =	swait.eq [sflag:s15], $0x1  }
0x94: {  	[sflag:s15] =	ssyncset.done $0x0  }
0x95: {  	[sflag:s15] =	ssyncadd.s32 $0xFFFFFFFF  }
0x96: {  	s16 =	sld [smem:$0x10];
	(tm) =	ssettm $0x1  }
0x97: {  	s17 =	sld [smem:$0x3FFB];
	_ =	sdelay $0x3  }
0x98: {  	_ =	strace s17  }
0x99: {  	s3 =	sld [smem:$0x3FFC];
	_ =	sdelay $0x3  }
0x9a: {  	_ =	strace s3  }
0x9b: {  	s3 =	sld [smem:$0x3FFD];
	_ =	sdelay $0x3  }
0x9c: {  	_ =	strace s3  }
0x9d: {  	_ =	strace $0x8FFFFFFF  }
0x9e: {  	s18 =	sld [smem:$0x3FDB];
	_ =	sdelay $0x1  }
0x9f: {  	s19 =	simm.s32 $_scs_section_size  }
0xa0: {  	s5 =	simm.s32 $_size__tile_overlayer_lowered;
	s6 =	simm.s32 $_tile_overlayer_lowered  }
0xa1: {  	s22 =	simm.s32 $0x1BFF;
	s21 =	sshll.u32 s6, $0x1;
	s3 =	sadd.s32 s19, s18  }
0xa2: {  	s7 =	simm.s32 $0x0;
	s20 =	sshll.u32 s5, $0x1;
	s5 =	sadd.s32 s21, s3  }
0xa3: {  	[timem:s7], [sflag:s22] =	dma.local [hbm:s5], s20  }
0xa4: {  	_ =	swait.ge [sflag:s22], s20  }
0xa5: {  	s4 =	ssub.s32 $0x0, s20;
	[sflag:s22] =	ssyncset.done $0x0  }
0xa6: {  	[sflag:s22] =	ssyncadd.s32 s4;
	_ =	sdelay $0x1  }
0xa7: {  	s23 =	simm.s32 $0x1B8B  }
0xa8: {  	_ =	swait.ge [sflag:s23], $0x1  }
0xa9: {  	[sflag:s23] =	ssyncset.done $0x0  }
0xaa: {  	s25 =	simm.s32 $0x1B8E;
	s24 =	sld [smem:$0x3FFE];
	[sflag:s23] =	ssyncadd.s32 $0xFFFFFFFF  }
0xab: {  	s26 =	simm.s32 $execute0_lowered;
	[smem:$0x3FD2] =	sst s25  }
0xac: {  	s5 =	sshll.u32 s26, $0x1;
	_ =	strace $0x80000049;
	[dreg:$0x1] =	wrdreg $0xFFFFFFFF  }
0xad: {  	s28 =	simm.s32 $_size_execute0_lowered;
	s3 =	sadd.s32 s3, s5;
	[dreg:$0x0] =	wrdreg $0x0  }
0xae: {  	s5 =	sshll.u32 s28, $0x1;
	[dreg:$0x2] =	wrdreg s3  }
0xaf: {  	[dreg:$0x3] =	wrdreg s5  }
0xb0: {  	[dreg:$0x4] =	wrdreg $0xC0  }
0xb1: {  	_ =	task [dreg:s7], $0x5FFFF  }
0xb2: {  	[dreg:$0x1] =	wrdreg $0xFFFFFFFF  }
0xb3: {  	[dreg:$0x0] =	wrdreg $0x60  }
0xb4: {  	[dreg:$0x2] =	wrdreg s24  }
0xb5: {  	[dreg:$0x3] =	wrdreg s16  }
0xb6: {  	[dreg:$0x4] =	wrdreg $0x9  }
0xb7: {  	_ =	task.clear_ibuf [dreg:s7], $0x5FFFF;
	_ =	strace $0x90000049  }
0xb8: {  	s29 =	simm.s32 $0x9;
	_ =	strace $0x8000004B  }
0xb9: {  	_ =	swait.ge [sflag:s29], $0x1  }
0xba: {  	[sflag:s29] =	ssyncadd.s32 $0xFFFFFFFF  }
0xbb: {  	_ =	strace $0x9000004B  }
0xbc: {  	_ =	sfence  }
0xbd: {  	s30 =	sld [smem:$0x0];
	_ =	sdelay $0x2  }
0xbe: {  	s31 =	sshll.u32 s1, $0xD;
	s1 =	sshrl.u32 s1, $0x2  }
0xbf: {  	s3 =	sand.u32 $0x4000, s31;
	s1 =	sadd.s32 s1, s30  }
0xc0: {  	s0 =	sor.u32 s3, s0;
	s1 =	sshll.u32 s1, $0x11  }
0xc1: {  	s0 =	sor.u32 s1, s0  }
0xc2: {  	s0 =	sadd.s32 $0x8F2B, s0  }
0xc3: {  	[sflag:s0] =	ssyncadd.remote.s32 $0x1  }
0xc4: {  	_ =	sfence.sel $0xFFFF  }
0xc5: {  	[dreg:$0x0] =	wrdreg $0xFFFFFFFF;
	(pc) =	sbr.abs _section_cstart, $3  }
0xc6: {  	[dreg:$0x1] =	wrdreg $0xFFFFFFFF  }
0xc7: {  	_ =	task.clear_ibuf [dreg:s7], $0x2FFFF;
	_ =	strace $0x9FFFFFFF  }
0xc8: {  	(tm) =	ssettm $0x7FFFFFFF  }
0xc9: {  	_ =	shalt  }
tec
execute0_lowered:
.L_overlay_start_1:
0x0: {  	(tag) =	ssettag $0x1  }
0x1: {  	s0 =	rddreg [dreg:$0x0]  }
0x2: {  	s1 =	rddreg [dreg:$0x1]  }
0x3: {  	s2 =	srdreg.scid;
	s4 =	stileid.u32;
	s18 =	simm.s32 $0x1  }
0x4: {  	s20 =	simm.s32 $0x880;
	s21 =	simm.s32 $0x1080;
	s22 =	simm.s32 $0x1880  }
0x5: {  	s23 =	simm.s32 $0x2080;
	s28 =	simm.s32 $0x4080;
	s29 =	simm.s32 $0x4880  }
0x6: {  	s30 =	simm.s32 $0x5080;
	s31 =	simm.s32 $0x5880;
	s11 =	simm.s32 $0x7880  }
0x7: {  	s12 =	simm.s32 $0x8080;
	s13 =	simm.s32 $0x8880;
	s14 =	simm.s32 $0x9080  }
0x8: {  	s15 =	simm.s32 $0x9880;
	s16 =	simm.s32 $0xA080;
	s17 =	simm.s32 $0xA880  }
0x9: {  	s3 =	sand.u32 $0x1, s2;
	s2 =	simm.s32 $0x0;
	s4 =	sshll.u32 s4, $0x8  }
0xa: {  	s8 =	sadd.s32 $0x1200, s0;
	s5 =	sshll.u32 s3, $0x7;
	[smem:$0x7FF] =	sst s2  }
0xb: {  	s24 =	ssub.s32 $0x2, s3;
	s3 =	sadd.s32 $0xB9200, s0;
	s5 =	sor.u32 s5, s4  }
0xc: {  	_ =	strace $0x8000004A;
	s7 =	sshrl.u32 s24, $0x1;
	s4 =	sadd.s32 $0xB9300, s0  }
0xd: {  	s6 =	sshrl.u32 s5, $0x3;
	s7 =	ssub.s32 s24, s7;
	s25 =	sshll.u32 s5, $0x7  }
0xe: {  	s9 =	sor.u32 $0x40, s5;
	s5 =	sadd.s32 $0xB9400, s0;
	s24 =	simm.s32 $0x2880  }
0xf: {  	s6 =	sadd.s32 s1, s6;
	s10 =	sshrl.u32 s9, $0x3;
	s9 =	sshll.u32 s9, $0x7  }
0x10: {  	s7 =	smax.u32 s7, $0x1;
	[dreg:$0x3] =	wrdreg s6;
	s6 =	sadd.s32 s8, s25  }
0x11: {  	s1 =	sadd.s32 s1, s10;
	s26 =	sadd.s32 s8, s9;
	s8 =	simm.s32 $0x2  }
0x12: {  	v2 =	vlaneseq.u32;
	s25 =	simm.s32 $0x3080;
	s10 =	simm.s32 $0x7080;
	[dreg:$0x4] =	wrdreg s6  }
0x13: {  	vm0 =	vmmov $0xffff;
	v1 =	vshrl.u32 v2, $0x3;
	s9 =	simm.s32 $0xB080;
	s6 =	sadd.s32 $0xB9500, s0;
	[dreg:$0x5] =	wrdreg s1  }
0x14: {  	v0 =	vand.u32 $0x7, v2;
	v2 =	vor.u32 $0x8, v2;
	v1 =	vmul.u32 $0x8, v1;
	[dreg:$0x6] =	wrdreg s26;
	s0 =	simm.s32 $0x80;
	s26 =	simm.s32 $0x3880  }
.LBB2_1:
0x15: {  	s19 =	rddreg [dreg:$0x3]  }
0x16: {  	[tilespmem:s2], [sflag:$0x2] =	stream.linear.gather [hbm4b:s19+s2], $0x40, $0x38;
	[tilespmem:$0x10080] =	vst v63  }
0x17: {  	_ =	swait.ge [sflag:s8], $0x40  }
0x18: {  	[sflag:s8] =	ssyncset.done $0x0  }
0x19: {  	[sflag:s8] =	ssyncadd.s32 $0xFFFFFFC0  }
0x1a: {  	v3 =	vld [tilespmem:$0x0];
	_ =	sdelay $0x4  }
0x1b: {  	v4 =	vshll.u32 v3, $0x3  }
0x1c: {  	v3 =	vand.u32 $0x7, v3;
	v4 =	vand.u32 $0xFFFFFFC0, v4  }
0x1d: {  	v3 =	vor.u32 v3, v4  }
0x1e: {  	v4 =	vperm.xlane v3, v0;
	_ =	sdelay $0x1  }
0x1f: {  	v4 =	vadd.s32 v1, v4;
	_ =	sdelay $0x4  }
0x20: {  	[tilespmem:s0], [sflag:$0x1] =	stream.indirect_vreg.gather [hbm4b:s3+s2], $0x80, v4, vm0, $0xb8;
	[tilespmem:$0x10080] =	vst v63  }
0x21: {  	v3 =	vperm.xlane v3, v2  }
0x22: {  	[tilespmem:s20], [sflag:$0x1] =	stream.indirect_vreg.gather [hbm4b:s4+s2], $0x80, v4, vm0, $0xb8;
	[tilespmem:$0x10080] =	vst v63  }
0x23: {  	v3 =	vadd.s32 v1, v3  }
0x24: {  	[tilespmem:s21], [sflag:$0x1] =	stream.indirect_vreg.gather [hbm4b:s5+s2], $0x80, v4, vm0, $0xb8;
	[tilespmem:$0x10080] =	vst v63  }
0x25: {  	_ = 	snop  }
0x26: {  	[tilespmem:s22], [sflag:$0x1] =	stream.indirect_vreg.gather [hbm4b:s6+s2], $0x80, v4, vm0, $0xb8;
	[tilespmem:$0x10080] =	vst v63  }
0x27: {  	_ = 	snop  }
0x28: {  	[tilespmem:s23], [sflag:$0x1] =	stream.indirect_vreg.gather [hbm4b:s3+s2], $0x80, v3, vm0, $0xb8;
	[tilespmem:$0x10080] =	vst v63  }
0x29: {  	_ = 	snop  }
0x2a: {  	[tilespmem:s24], [sflag:$0x1] =	stream.indirect_vreg.gather [hbm4b:s4+s2], $0x80, v3, vm0, $0xb8;
	[tilespmem:$0x10080] =	vst v63  }
0x2b: {  	_ = 	snop  }
0x2c: {  	[tilespmem:s25], [sflag:$0x1] =	stream.indirect_vreg.gather [hbm4b:s5+s2], $0x80, v3, vm0, $0xb8;
	[tilespmem:$0x10080] =	vst v63  }
0x2d: {  	_ = 	snop  }
0x2e: {  	[tilespmem:s26], [sflag:$0x1] =	stream.indirect_vreg.gather [hbm4b:s6+s2], $0x80, v3, vm0, $0xb8;
	[tilespmem:$0x10080] =	vst v63  }
0x2f: {  	v3 =	vld [tilespmem:$0x10];
	_ =	sdelay $0x4  }
0x30: {  	v57 =	vshll.u32 v3, $0x3  }
0x31: {  	v3 =	vand.u32 $0x7, v3;
	v4 =	vand.u32 $0xFFFFFFC0, v57  }
0x32: {  	v3 =	vor.u32 v3, v4  }
0x33: {  	v4 =	vperm.xlane v3, v0;
	_ =	sdelay $0x1  }
0x34: {  	v4 =	vadd.s32 v1, v4;
	_ =	sdelay $0x4  }
0x35: {  	[tilespmem:s28], [sflag:$0x1] =	stream.indirect_vreg.gather [hbm4b:s3+s2], $0x80, v4, vm0, $0xb8;
	[tilespmem:$0x10080] =	vst v63  }
0x36: {  	v3 =	vperm.xlane v3, v2  }
0x37: {  	[tilespmem:s29], [sflag:$0x1] =	stream.indirect_vreg.gather [hbm4b:s4+s2], $0x80, v4, vm0, $0xb8;
	[tilespmem:$0x10080] =	vst v63  }
0x38: {  	v3 =	vadd.s32 v1, v3  }
0x39: {  	[tilespmem:s30], [sflag:$0x1] =	stream.indirect_vreg.gather [hbm4b:s5+s2], $0x80, v4, vm0, $0xb8;
	[tilespmem:$0x10080] =	vst v63  }
0x3a: {  	_ = 	snop  }
0x3b: {  	[tilespmem:s31], [sflag:$0x1] =	stream.indirect_vreg.gather [hbm4b:s6+s2], $0x80, v4, vm0, $0xb8;
	[tilespmem:$0x10080] =	vst v63  }
0x3c: {  	s1 =	simm.s32 $0x6080  }
0x3d: {  	[tilespmem:s1], [sflag:$0x1] =	stream.indirect_vreg.gather [hbm4b:s3+s2], $0x80, v3, vm0, $0xb8;
	[tilespmem:$0x10080] =	vst v63  }
0x3e: {  	s1 =	simm.s32 $0x6880  }
0x3f: {  	[tilespmem:s1], [sflag:$0x1] =	stream.indirect_vreg.gather [hbm4b:s4+s2], $0x80, v3, vm0, $0xb8;
	[tilespmem:$0x10080] =	vst v63  }
0x40: {  	_ = 	snop  }
0x41: {  	[tilespmem:s10], [sflag:$0x1] =	stream.indirect_vreg.gather [hbm4b:s5+s2], $0x80, v3, vm0, $0xb8;
	[tilespmem:$0x10080] =	vst v63  }
0x42: {  	_ = 	snop  }
0x43: {  	[tilespmem:s11], [sflag:$0x1] =	stream.indirect_vreg.gather [hbm4b:s6+s2], $0x80, v3, vm0, $0xb8;
	[tilespmem:$0x10080] =	vst v63  }
0x44: {  	v3 =	vld [tilespmem:$0x20];
	_ =	sdelay $0x4  }
0x45: {  	v58 =	vshll.u32 v3, $0x3  }
0x46: {  	v3 =	vand.u32 $0x7, v3;
	v4 =	vand.u32 $0xFFFFFFC0, v58  }
0x47: {  	v3 =	vor.u32 v3, v4  }
0x48: {  	v4 =	vperm.xlane v3, v0;
	_ =	sdelay $0x1  }
0x49: {  	v4 =	vadd.s32 v1, v4;
	_ =	sdelay $0x4  }
0x4a: {  	[tilespmem:s12], [sflag:$0x1] =	stream.indirect_vreg.gather [hbm4b:s3+s2], $0x80, v4, vm0, $0xb8;
	[tilespmem:$0x10080] =	vst v63  }
0x4b: {  	v3 =	vperm.xlane v3, v2  }
0x4c: {  	[tilespmem:s13], [sflag:$0x1] =	stream.indirect_vreg.gather [hbm4b:s4+s2], $0x80, v4, vm0, $0xb8;
	[tilespmem:$0x10080] =	vst v63  }
0x4d: {  	v3 =	vadd.s32 v1, v3  }
0x4e: {  	[tilespmem:s14], [sflag:$0x1] =	stream.indirect_vreg.gather [hbm4b:s5+s2], $0x80, v4, vm0, $0xb8;
	[tilespmem:$0x10080] =	vst v63  }
0x4f: {  	_ = 	snop  }
0x50: {  	[tilespmem:s15], [sflag:$0x1] =	stream.indirect_vreg.gather [hbm4b:s6+s2], $0x80, v4, vm0, $0xb8;
	[tilespmem:$0x10080] =	vst v63  }
0x51: {  	_ = 	snop  }
0x52: {  	[tilespmem:s16], [sflag:$0x1] =	stream.indirect_vreg.gather [hbm4b:s3+s2], $0x80, v3, vm0, $0xb8;
	[tilespmem:$0x10080] =	vst v63  }
0x53: {  	_ = 	snop  }
0x54: {  	[tilespmem:s17], [sflag:$0x1] =	stream.indirect_vreg.gather [hbm4b:s4+s2], $0x80, v3, vm0, $0xb8;
	[tilespmem:$0x10080] =	vst v63  }
0x55: {  	_ = 	snop  }
0x56: {  	[tilespmem:s9], [sflag:$0x1] =	stream.indirect_vreg.gather [hbm4b:s5+s2], $0x80, v3, vm0, $0xb8;
	[tilespmem:$0x10080] =	vst v63  }
0x57: {  	s19 =	simm.s32 $0xB880  }
0x58: {  	[tilespmem:s19], [sflag:$0x1] =	stream.indirect_vreg.gather [hbm4b:s6+s2], $0x80, v3, vm0, $0xb8;
	[tilespmem:$0x10080] =	vst v63  }
0x59: {  	v3 =	vld [tilespmem:$0x30];
	_ =	sdelay $0x4  }
0x5a: {  	v59 =	vshll.u32 v3, $0x3  }
0x5b: {  	v3 =	vand.u32 $0x7, v3;
	v4 =	vand.u32 $0xFFFFFFC0, v59  }
0x5c: {  	v3 =	vor.u32 v3, v4  }
0x5d: {  	v4 =	vperm.xlane v3, v0;
	_ =	sdelay $0x1  }
0x5e: {  	v4 =	vadd.s32 v1, v4;
	_ =	sdelay $0x3  }
0x5f: {  	s19 =	simm.s32 $0xC080  }
0x60: {  	[tilespmem:s19], [sflag:$0x1] =	stream.indirect_vreg.gather [hbm4b:s3+s2], $0x80, v4, vm0, $0xb8;
	[tilespmem:$0x10080] =	vst v63  }
0x61: {  	v3 =	vperm.xlane v3, v2;
	s19 =	simm.s32 $0xC880  }
0x62: {  	[tilespmem:s19], [sflag:$0x1] =	stream.indirect_vreg.gather [hbm4b:s4+s2], $0x80, v4, vm0, $0xb8;
	[tilespmem:$0x10080] =	vst v63  }
0x63: {  	v3 =	vadd.s32 v1, v3;
	s19 =	simm.s32 $0xD080  }
0x64: {  	[tilespmem:s19], [sflag:$0x1] =	stream.indirect_vreg.gather [hbm4b:s5+s2], $0x80, v4, vm0, $0xb8;
	[tilespmem:$0x10080] =	vst v63  }
0x65: {  	s19 =	simm.s32 $0xD880  }
0x66: {  	[tilespmem:s19], [sflag:$0x1] =	stream.indirect_vreg.gather [hbm4b:s6+s2], $0x80, v4, vm0, $0xb8;
	[tilespmem:$0x10080] =	vst v63  }
0x67: {  	s19 =	simm.s32 $0xE080  }
0x68: {  	[tilespmem:s19], [sflag:$0x1] =	stream.indirect_vreg.gather [hbm4b:s3+s2], $0x80, v3, vm0, $0xb8;
	[tilespmem:$0x10080] =	vst v63  }
0x69: {  	s19 =	simm.s32 $0xE880  }
0x6a: {  	[tilespmem:s19], [sflag:$0x1] =	stream.indirect_vreg.gather [hbm4b:s4+s2], $0x80, v3, vm0, $0xb8;
	[tilespmem:$0x10080] =	vst v63  }
0x6b: {  	s19 =	simm.s32 $0xF080  }
0x6c: {  	[tilespmem:s19], [sflag:$0x1] =	stream.indirect_vreg.gather [hbm4b:s5+s2], $0x80, v3, vm0, $0xb8;
	[tilespmem:$0x10080] =	vst v63  }
0x6d: {  	s19 =	simm.s32 $0xF880  }
0x6e: {  	[tilespmem:s19], [sflag:$0x1] =	stream.indirect_vreg.gather [hbm4b:s6+s2], $0x80, v3, vm0, $0xb8;
	[tilespmem:$0x10080] =	vst v63  }
0x6f: {  	_ =	swait.ge [sflag:s18], $0x10000  }
0x70: {  	[sflag:s18] =	ssyncset.done $0x0  }
0x71: {  	s19 =	rddreg [dreg:$0x4];
	[sflag:s18] =	ssyncadd.s32 $0xFFFF0000  }
0x72: {  	[hbm4b:s19+s2] =	stream.linear.scatter [tilespmem:s0], [sflag:$0x2], $0x10000, $0x38;
	[tilespmem:$0x10080] =	vst v63  }
0x73: {  	_ =	swait.ge [sflag:s8], $0x10000  }
0x74: {  	[sflag:s8] =	ssyncset.done $0x0  }
0x75: {  	s19 =	rddreg [dreg:$0x5];
	[sflag:s8] =	ssyncadd.s32 $0xFFFF0000  }
0x76: {  	[tilespmem:s2], [sflag:$0x2] =	stream.linear.gather [hbm4b:s19+s2], $0x40, $0x38;
	[tilespmem:$0x10080] =	vst v63  }
0x77: {  	_ =	swait.ge [sflag:s8], $0x40  }
0x78: {  	[sflag:s8] =	ssyncset.done $0x0  }
0x79: {  	[sflag:s8] =	ssyncadd.s32 $0xFFFFFFC0  }
0x7a: {  	v3 =	vld [tilespmem:$0x0];
	_ =	sdelay $0x4  }
0x7b: {  	v60 =	vshll.u32 v3, $0x3  }
0x7c: {  	v3 =	vand.u32 $0x7, v3;
	v4 =	vand.u32 $0xFFFFFFC0, v60  }
0x7d: {  	v3 =	vor.u32 v3, v4  }
0x7e: {  	v4 =	vperm.xlane v3, v0;
	_ =	sdelay $0x1  }
0x7f: {  	v4 =	vadd.s32 v1, v4;
	_ =	sdelay $0x4  }
0x80: {  	[tilespmem:s0], [sflag:$0x1] =	stream.indirect_vreg.gather [hbm4b:s3+s2], $0x80, v4, vm0, $0xb8;
	[tilespmem:$0x10080] =	vst v63  }
0x81: {  	v3 =	vperm.xlane v3, v2  }
0x82: {  	[tilespmem:s20], [sflag:$0x1] =	stream.indirect_vreg.gather [hbm4b:s4+s2], $0x80, v4, vm0, $0xb8;
	[tilespmem:$0x10080] =	vst v63  }
0x83: {  	v3 =	vadd.s32 v1, v3  }
0x84: {  	[tilespmem:s21], [sflag:$0x1] =	stream.indirect_vreg.gather [hbm4b:s5+s2], $0x80, v4, vm0, $0xb8;
	[tilespmem:$0x10080] =	vst v63  }
0x85: {  	_ = 	snop  }
0x86: {  	[tilespmem:s22], [sflag:$0x1] =	stream.indirect_vreg.gather [hbm4b:s6+s2], $0x80, v4, vm0, $0xb8;
	[tilespmem:$0x10080] =	vst v63  }
0x87: {  	_ = 	snop  }
0x88: {  	[tilespmem:s23], [sflag:$0x1] =	stream.indirect_vreg.gather [hbm4b:s3+s2], $0x80, v3, vm0, $0xb8;
	[tilespmem:$0x10080] =	vst v63  }
0x89: {  	_ = 	snop  }
0x8a: {  	[tilespmem:s24], [sflag:$0x1] =	stream.indirect_vreg.gather [hbm4b:s4+s2], $0x80, v3, vm0, $0xb8;
	[tilespmem:$0x10080] =	vst v63  }
0x8b: {  	_ = 	snop  }
0x8c: {  	[tilespmem:s25], [sflag:$0x1] =	stream.indirect_vreg.gather [hbm4b:s5+s2], $0x80, v3, vm0, $0xb8;
	[tilespmem:$0x10080] =	vst v63  }
0x8d: {  	_ = 	snop  }
0x8e: {  	[tilespmem:s26], [sflag:$0x1] =	stream.indirect_vreg.gather [hbm4b:s6+s2], $0x80, v3, vm0, $0xb8;
	[tilespmem:$0x10080] =	vst v63  }
0x8f: {  	v3 =	vld [tilespmem:$0x10];
	_ =	sdelay $0x4  }
0x90: {  	v61 =	vshll.u32 v3, $0x3  }
0x91: {  	v3 =	vand.u32 $0x7, v3;
	v4 =	vand.u32 $0xFFFFFFC0, v61  }
0x92: {  	v3 =	vor.u32 v3, v4  }
0x93: {  	v4 =	vperm.xlane v3, v0;
	_ =	sdelay $0x1  }
0x94: {  	v4 =	vadd.s32 v1, v4;
	_ =	sdelay $0x4  }
0x95: {  	[tilespmem:s28], [sflag:$0x1] =	stream.indirect_vreg.gather [hbm4b:s3+s2], $0x80, v4, vm0, $0xb8;
	[tilespmem:$0x10080] =	vst v63  }
0x96: {  	v3 =	vperm.xlane v3, v2  }
0x97: {  	[tilespmem:s29], [sflag:$0x1] =	stream.indirect_vreg.gather [hbm4b:s4+s2], $0x80, v4, vm0, $0xb8;
	[tilespmem:$0x10080] =	vst v63  }
0x98: {  	v3 =	vadd.s32 v1, v3  }
0x99: {  	[tilespmem:s30], [sflag:$0x1] =	stream.indirect_vreg.gather [hbm4b:s5+s2], $0x80, v4, vm0, $0xb8;
	[tilespmem:$0x10080] =	vst v63  }
0x9a: {  	_ = 	snop  }
0x9b: {  	[tilespmem:s31], [sflag:$0x1] =	stream.indirect_vreg.gather [hbm4b:s6+s2], $0x80, v4, vm0, $0xb8;
	[tilespmem:$0x10080] =	vst v63  }
0x9c: {  	s19 =	simm.s32 $0x6080  }
0x9d: {  	[tilespmem:s19], [sflag:$0x1] =	stream.indirect_vreg.gather [hbm4b:s3+s2], $0x80, v3, vm0, $0xb8;
	[tilespmem:$0x10080] =	vst v63  }
0x9e: {  	_ = 	snop  }
0x9f: {  	[tilespmem:s1], [sflag:$0x1] =	stream.indirect_vreg.gather [hbm4b:s4+s2], $0x80, v3, vm0, $0xb8;
	[tilespmem:$0x10080] =	vst v63  }
0xa0: {  	_ = 	snop  }
0xa1: {  	[tilespmem:s10], [sflag:$0x1] =	stream.indirect_vreg.gather [hbm4b:s5+s2], $0x80, v3, vm0, $0xb8;
	[tilespmem:$0x10080] =	vst v63  }
0xa2: {  	_ = 	snop  }
0xa3: {  	[tilespmem:s11], [sflag:$0x1] =	stream.indirect_vreg.gather [hbm4b:s6+s2], $0x80, v3, vm0, $0xb8;
	[tilespmem:$0x10080] =	vst v63  }
0xa4: {  	v3 =	vld [tilespmem:$0x20];
	_ =	sdelay $0x4  }
0xa5: {  	v62 =	vshll.u32 v3, $0x3  }
0xa6: {  	v3 =	vand.u32 $0x7, v3;
	v4 =	vand.u32 $0xFFFFFFC0, v62  }
0xa7: {  	v3 =	vor.u32 v3, v4  }
0xa8: {  	v4 =	vperm.xlane v3, v0;
	_ =	sdelay $0x1  }
0xa9: {  	v4 =	vadd.s32 v1, v4;
	_ =	sdelay $0x4  }
0xaa: {  	[tilespmem:s12], [sflag:$0x1] =	stream.indirect_vreg.gather [hbm4b:s3+s2], $0x80, v4, vm0, $0xb8;
	[tilespmem:$0x10080] =	vst v63  }
0xab: {  	v3 =	vperm.xlane v3, v2  }
0xac: {  	[tilespmem:s13], [sflag:$0x1] =	stream.indirect_vreg.gather [hbm4b:s4+s2], $0x80, v4, vm0, $0xb8;
	[tilespmem:$0x10080] =	vst v63  }
0xad: {  	v3 =	vadd.s32 v1, v3  }
0xae: {  	[tilespmem:s14], [sflag:$0x1] =	stream.indirect_vreg.gather [hbm4b:s5+s2], $0x80, v4, vm0, $0xb8;
	[tilespmem:$0x10080] =	vst v63  }
0xaf: {  	_ = 	snop  }
0xb0: {  	[tilespmem:s15], [sflag:$0x1] =	stream.indirect_vreg.gather [hbm4b:s6+s2], $0x80, v4, vm0, $0xb8;
	[tilespmem:$0x10080] =	vst v63  }
0xb1: {  	_ = 	snop  }
0xb2: {  	[tilespmem:s16], [sflag:$0x1] =	stream.indirect_vreg.gather [hbm4b:s3+s2], $0x80, v3, vm0, $0xb8;
	[tilespmem:$0x10080] =	vst v63  }
0xb3: {  	_ = 	snop  }
0xb4: {  	[tilespmem:s17], [sflag:$0x1] =	stream.indirect_vreg.gather [hbm4b:s4+s2], $0x80, v3, vm0, $0xb8;
	[tilespmem:$0x10080] =	vst v63  }
0xb5: {  	_ = 	snop  }
0xb6: {  	[tilespmem:s9], [sflag:$0x1] =	stream.indirect_vreg.gather [hbm4b:s5+s2], $0x80, v3, vm0, $0xb8;
	[tilespmem:$0x10080] =	vst v63  }
0xb7: {  	s19 =	simm.s32 $0xB880  }
0xb8: {  	[tilespmem:s19], [sflag:$0x1] =	stream.indirect_vreg.gather [hbm4b:s6+s2], $0x80, v3, vm0, $0xb8;
	[tilespmem:$0x10080] =	vst v63  }
0xb9: {  	v3 =	vld [tilespmem:$0x30];
	_ =	sdelay $0x4  }
0xba: {  	v63 =	vshll.u32 v3, $0x3  }
0xbb: {  	v3 =	vand.u32 $0x7, v3;
	v4 =	vand.u32 $0xFFFFFFC0, v63  }
0xbc: {  	v3 =	vor.u32 v3, v4  }
0xbd: {  	v4 =	vperm.xlane v3, v0;
	_ =	sdelay $0x1  }
0xbe: {  	v4 =	vadd.s32 v1, v4;
	_ =	sdelay $0x3  }
0xbf: {  	s19 =	simm.s32 $0xC080  }
0xc0: {  	[tilespmem:s19], [sflag:$0x1] =	stream.indirect_vreg.gather [hbm4b:s3+s2], $0x80, v4, vm0, $0xb8;
	[tilespmem:$0x10080] =	vst v63  }
0xc1: {  	v3 =	vperm.xlane v3, v2;
	s19 =	simm.s32 $0xC880  }
0xc2: {  	[tilespmem:s19], [sflag:$0x1] =	stream.indirect_vreg.gather [hbm4b:s4+s2], $0x80, v4, vm0, $0xb8;
	[tilespmem:$0x10080] =	vst v63  }
0xc3: {  	v3 =	vadd.s32 v1, v3;
	s19 =	simm.s32 $0xD080  }
0xc4: {  	[tilespmem:s19], [sflag:$0x1] =	stream.indirect_vreg.gather [hbm4b:s5+s2], $0x80, v4, vm0, $0xb8;
	[tilespmem:$0x10080] =	vst v63  }
0xc5: {  	s19 =	simm.s32 $0xD880  }
0xc6: {  	[tilespmem:s19], [sflag:$0x1] =	stream.indirect_vreg.gather [hbm4b:s6+s2], $0x80, v4, vm0, $0xb8;
	[tilespmem:$0x10080] =	vst v63  }
0xc7: {  	s19 =	simm.s32 $0xE080  }
0xc8: {  	[tilespmem:s19], [sflag:$0x1] =	stream.indirect_vreg.gather [hbm4b:s3+s2], $0x80, v3, vm0, $0xb8;
	[tilespmem:$0x10080] =	vst v63  }
0xc9: {  	s19 =	simm.s32 $0xE880  }
0xca: {  	[tilespmem:s19], [sflag:$0x1] =	stream.indirect_vreg.gather [hbm4b:s4+s2], $0x80, v3, vm0, $0xb8;
	[tilespmem:$0x10080] =	vst v63  }
0xcb: {  	s19 =	simm.s32 $0xF080  }
0xcc: {  	[tilespmem:s19], [sflag:$0x1] =	stream.indirect_vreg.gather [hbm4b:s5+s2], $0x80, v3, vm0, $0xb8;
	[tilespmem:$0x10080] =	vst v63  }
0xcd: {  	s19 =	simm.s32 $0xF880  }
0xce: {  	[tilespmem:s19], [sflag:$0x1] =	stream.indirect_vreg.gather [hbm4b:s6+s2], $0x80, v3, vm0, $0xb8;
	[tilespmem:$0x10080] =	vst v63  }
0xcf: {  	_ =	swait.ge [sflag:s18], $0x10000  }
0xd0: {  	p0 =	sne.s32 s7, $0x1;
	[sflag:s18] =	ssyncset.done $0x0  }
.Ltmp0:
0xd1: {  	s1 =	rddreg [dreg:$0x6];
	[sflag:s18] =	ssyncadd.s32 $0xFFFF0000;
	(pc) =	sbr.rel @p0 .LBB2_1-.Ltmp0, $4  }
0xd2: {  	[hbm4b:s1+s2] =	stream.linear.scatter [tilespmem:s0], [sflag:$0x2], $0x10000, $0x38;
	[tilespmem:$0x10080] =	vst v63  }
0xd3: {  	_ =	swait.ge [sflag:s8], $0x10000  }
0xd4: {  	[sflag:s8] =	ssyncset.done $0x0  }
0xd5: {  	s7 =	sadd.s32 $0xFFFFFFFF, s7;
	[sflag:s8] =	ssyncadd.s32 $0xFFFF0000  }
0xd6: {  	_ =	sfence.sel $0x180000  }
0xd7: {  	[bflag:$0x0] =	sbarrier.arrive $0xFFFF  }
0xd8: {  	_ =	strace $0x9000004A  }
0xd9: {  	s0 =	stileid.u32;
	[bflag:$0x2] =	sbarrier.arrive $0xFFFF  }
0xda: {  	p0 =	sne.s32 s0, $0x0;
	s0 =	rddreg [dreg:$0x2]  }
0xdb: {  	s0 =	sadd.s32 @!p0 $0x100000, s0  }
0xdc: {  	[sflag:s0] =	ssyncadd.tile.s32 @!p0 $0x1;
	_ =	shalt  }
.Lfunc_end2:
_tile_overlayer_lowered:
.L_overlay_start_2:
0xdd: {  	(tag) =	ssettag $0x2  }
0xde: {  	s0 =	rddreg [dreg:$0x0];
	s2 =	stileid.u32  }
0xdf: {  	s1 =	rddreg [dreg:$0x1];
	p0 =	sne.s32 s2, $0x0  }
0xe0: {  	s3 =	rddreg [dreg:$0x2];
	[bflag:$0x3] =	sbarrier.arrive $0xFFFF;
	s2 =	simm.s32 @!p0 $0x1C02  }
0xe1: {  	[timem:s3], [sflag:s2] =	dma.local @!p0 [hbm:s0], s1  }
0xe2: {  	s0 =	simm.s32 @!p0 $0x2  }
0xe3: {  	_ =	swait.ge @!p0 [sflag:s0], s1  }
0xe4: {  	s1 =	ssub.s32 @!p0 $0x0, s1;
	[sflag:s0] =	ssyncset.done @!p0 $0x0  }
0xe5: {  	[sflag:s0] =	ssyncadd.s32 @!p0 s1  }
0xe6: {  	[bflag:$0x3] =	sbarrier.arrive $0xFFFF  }
0xe7: {  	_ =	shalt  }

// kernel: kernel.7.cloned.1.call-start
scs
__scs_entry_jumppad:
0x0: {  	(pc) =	sbr.rel $0x88, $3  }
0x1: {  	(tag) =	ssettag $0x0;
	lr =	simm.s32 $0x1  }
0x2: {  	[smem:$0x3F9C] =	sst lr;
	_ =	strace $0xD0000000  }
0x3: {  	_ = 	snop  }
0x4: {  	_ = 	snop  }
0x5: {  	_ = 	snop  }
0x6: {  	_ = 	snop  }
0x7: {  	_ = 	snop  }
__scs_overlays_trampoline_lowered:
0x8: {  	[smem:$0x3FAB] =	sst s0  }
0x9: {  	[smem:$0x3FAC] =	sst s1  }
0xa: {  	[smem:$0x3FAD] =	sst s2  }
0xb: {  	[smem:$0x3FAE] =	sst s3  }
0xc: {  	[smem:$0x3FAF] =	sst s4  }
0xd: {  	[smem:$0x3FB0] =	sst s5  }
0xe: {  	[smem:$0x3FB1] =	sst s6  }
0xf: {  	[smem:$0x3FB2] =	sst s7  }
0x10: {  	[smem:$0x3FB3] =	sst s8  }
0x11: {  	[smem:$0x3FB4] =	sst s9;
	s0 =	simm.s32 @!p0 $0x0  }
0x12: {  	s1 =	sld [smem:$0x3F9A];
	s0 =	simm.s32 @p0 $0x1  }
0x13: {  	[smem:$0x3FB5] =	sst s0;
	s0 =	simm.s32 @!p1 $0x0  }
0x14: {  	s2 =	sld [smem:$0x3F99];
	s0 =	simm.s32 @p1 $0x1  }
0x15: {  	[smem:$0x3FB6] =	sst s0;
	s0 =	simm.s32 @!p2 $0x0  }
0x16: {  	s3 =	sld [smem:$0x3FDB];
	s0 =	simm.s32 @p2 $0x1  }
0x17: {  	s4 =	simm.s32 $0x1BF5;
	[smem:$0x3FB8] =	sst s0  }
0x18: {  	s0 =	sld [smem:$0x3F9B];
	_ =	swait.ge [sflag:s4], $0x0  }
0x19: {  	s7 =	sld [smem:$0x3F9C]  }
0x1a: {  	s8 =	sadd.s32 $0xFFFFE003, lr  }
0x1b: {  	s9 =	sadd.s32 $0xFFFFFEF7, lr;
	s5 =	simm.s32 $0xFFFFFFFF;
	p2 =	slt.u32 s8, $0xFFFFF086  }
0x1c: {  	p1 =	slt.u32 s9, $0xF7A;
	s5 =	simm.s32 @!p2 $0x0  }
0x1d: {  	s5 =	simm.s32 @p1 $0x1;
	p0 =	seq.s32 s7, s2  }
0x1e: {  	s7 =	smul.u32 @!p0 $0xF7A, s2;
	p2 =	seq.s32 @!p0 s5, $0x0  }
0x1f: {  	s9 =	smul.u32 $0xF7A, s1;
	s8 =	simm.s32 @!p0 $0x1BF5;
	p2 =	por !p2, p0  }
0x20: {  	[sflag:s8] =	ssyncset.s32 @!p0 $0xFFFFF086;
	s6 =	sadd.s32 @!p0 s3, s7;
	s7 =	simm.s32 @!p0 $0x108  }
0x21: {  	s3 =	sadd.s32 s3, s9;
	s6 =	sadd.s32 @!p0 $0x88, s6;
	s7 =	simm.s32 @p2 $0x1082  }
0x22: {  	[simem:s7], [sflag:s8] =	dma.local @!p0 [hbm:s6], $0xF7A  }
0x23: {  	s9 =	sor.u32 $0xD0000000, s2;
	s6 =	simm.s32 $0x108;
	_ =	swait.ge @!p0 [sflag:s8], $0x0  }
0x24: {  	s3 =	sadd.s32 $0x88, s3;
	s6 =	simm.s32 @!p1 $0x1082;
	[sflag:s4] =	ssyncset.s32 $0xFFFFF086  }
0x25: {  	[simem:s6], [sflag:s4] =	dma.local [hbm:s3], $0xF7A  }
0x26: {  	[smem:$0x3F9C] =	sst s1;
	(tag) =	ssettag s2;
	_ =	strace s9  }
0x27: {  	s1 =	sld [smem:$0x3FAC]  }
0x28: {  	s2 =	sld [smem:$0x3FAD]  }
0x29: {  	s4 =	sld [smem:$0x3FAF]  }
0x2a: {  	p0 =	seq.s32 s5, $0x0;
	s5 =	sld [smem:$0x3FB0]  }
0x2b: {  	s6 =	sld [smem:$0x3FB1]  }
0x2c: {  	s7 =	sld [smem:$0x3FB2]  }
0x2d: {  	s3 =	simm.s32 $0x108;
	s8 =	sld [smem:$0x3FB3]  }
0x2e: {  	s3 =	simm.s32 @!p0 $0x1082;
	s9 =	sld [smem:$0x3FB4]  }
0x2f: {  	lr =	sadd.s32 s0, s3;
	s0 =	sld [smem:$0x3FAB]  }
0x30: {  	s3 =	sld [smem:$0x3FAE]  }
0x31: {  	[smem:$0x3FB7] =	sst s10  }
0x32: {  	s10 =	sld [smem:$0x3FB5];
	_ =	sdelay $0x3  }
0x33: {  	p0 =	seq.s32 s10, $0x1;
	s10 =	sld [smem:$0x3FB7];
	_ =	sdelay $0x3  }
0x34: {  	[smem:$0x3FB7] =	sst s10  }
0x35: {  	s10 =	sld [smem:$0x3FB6];
	_ =	sdelay $0x3  }
0x36: {  	p1 =	seq.s32 s10, $0x1;
	s10 =	sld [smem:$0x3FB7];
	_ =	sdelay $0x3  }
0x37: {  	[smem:$0x3FB7] =	sst s10  }
0x38: {  	s10 =	sld [smem:$0x3FB8]  }
0x39: {  	_ = 	snop;
	(pc) =	sbr.ind lr, $3  }
0x3a: {  	_ = 	snop  }
0x3b: {  	_ = 	snop  }
0x3c: {  	p2 =	seq.s32 s10, $0x1;
	s10 =	sld [smem:$0x3FB7]  }
0x3d: {  	_ =	shalt  }
0x3e: {  	_ =	shalt  }
0x3f: {  	_ =	shalt  }
0x40: {  	_ =	shalt  }
0x41: {  	_ =	shalt  }
0x42: {  	_ =	shalt  }
0x43: {  	_ =	shalt  }
0x44: {  	_ =	shalt  }
0x45: {  	_ =	shalt  }
0x46: {  	_ =	shalt  }
0x47: {  	_ =	shalt  }
0x48: {  	_ =	shalt  }
0x49: {  	_ =	shalt  }
0x4a: {  	_ =	shalt  }
0x4b: {  	_ =	shalt  }
0x4c: {  	_ =	shalt  }
0x4d: {  	_ =	shalt  }
0x4e: {  	_ =	shalt  }
0x4f: {  	_ =	shalt  }
0x50: {  	_ =	shalt  }
0x51: {  	_ =	shalt  }
0x52: {  	_ =	shalt  }
0x53: {  	_ =	shalt  }
0x54: {  	_ =	shalt  }
0x55: {  	_ =	shalt  }
0x56: {  	_ =	shalt  }
0x57: {  	_ =	shalt  }
0x58: {  	_ =	shalt  }
0x59: {  	_ =	shalt  }
0x5a: {  	_ =	shalt  }
0x5b: {  	_ =	shalt  }
0x5c: {  	_ =	shalt  }
0x5d: {  	_ =	shalt  }
0x5e: {  	_ =	shalt  }
0x5f: {  	_ =	shalt  }
0x60: {  	_ =	shalt  }
0x61: {  	_ =	shalt  }
0x62: {  	_ =	shalt  }
0x63: {  	_ =	shalt  }
0x64: {  	_ =	shalt  }
0x65: {  	_ =	shalt  }
0x66: {  	_ =	shalt  }
0x67: {  	_ =	shalt  }
0x68: {  	_ =	shalt  }
0x69: {  	_ =	shalt  }
0x6a: {  	_ =	shalt  }
0x6b: {  	_ =	shalt  }
0x6c: {  	_ =	shalt  }
0x6d: {  	_ =	shalt  }
0x6e: {  	_ =	shalt  }
0x6f: {  	_ =	shalt  }
0x70: {  	_ =	shalt  }
0x71: {  	_ =	shalt  }
0x72: {  	_ =	shalt  }
0x73: {  	_ =	shalt  }
0x74: {  	_ =	shalt  }
0x75: {  	_ =	shalt  }
0x76: {  	_ =	shalt  }
0x77: {  	_ =	shalt  }
0x78: {  	_ =	shalt  }
0x79: {  	_ =	shalt  }
0x7a: {  	_ =	shalt  }
0x7b: {  	_ =	shalt  }
0x7c: {  	_ =	shalt  }
0x7d: {  	_ =	shalt  }
0x7e: {  	_ =	shalt  }
0x7f: {  	_ =	shalt  }
0x80: {  	_ =	shalt  }
0x81: {  	_ =	shalt  }
0x82: {  	_ =	shalt  }
0x83: {  	_ =	shalt  }
0x84: {  	_ =	shalt  }
0x85: {  	_ =	shalt  }
0x86: {  	_ =	shalt  }
0x87: {  	_ =	shalt  }
.Lfunc_end0:
.L_simem_size_0:
called_computation_lowered:
.L_overlay_start_0:
0x88: {  	s2 =	sld [smem:$0x3FD9]  }
0x89: {  	s3 =	sld [smem:$0x3FFE];
	_ =	sdelay $0x1  }
0x8a: {  	s1 =	srdreg.scid  }
0x8b: {  	s0 =	sand.u32 $0x1, s1  }
0x8c: {  	s14 =	sshll.u32 s0, $0xA;
	s2 =	sadd.s32 s3, s2  }
0x8d: {  	s2 =	sadd.s32 s2, s14  }
0x8e: {  	[smem:$0x3FC3] =	sst s2  }
0x8f: {  	_ = 	snop  }
0x90: {  	s2 =	sld [smem:$0x3FD0];
	_ =	sdelay $0x2  }
0x91: {  	s4 =	simm.s32 $0xA;
	s5 =	simm.s32 $0x10;
	s15 =	sld [smem:$0x3FC9]  }
0x92: {  	[smem:s5], [sflag:s4] =	dma.local [hbm:s2], $0x1  }
0x93: {  	_ =	swait.eq [sflag:s4], $0x1  }
0x94: {  	[sflag:s4] =	ssyncset.done $0x0  }
0x95: {  	[sflag:s4] =	ssyncadd.s32 $0xFFFFFFFF  }
0x96: {  	s16 =	sld [smem:$0x10];
	(tm) =	ssettm $0x1  }
0x97: {  	s17 =	sld [smem:$0x3FFB];
	_ =	sdelay $0x3  }
0x98: {  	_ =	strace s17  }
0x99: {  	s4 =	sld [smem:$0x3FFC];
	_ =	sdelay $0x3  }
0x9a: {  	_ =	strace s4  }
0x9b: {  	s4 =	sld [smem:$0x3FFD];
	_ =	sdelay $0x3  }
0x9c: {  	_ =	strace s4  }
0x9d: {  	_ =	strace $0x8FFFFFFF  }
0x9e: {  	s18 =	sld [smem:$0x3FDB];
	_ =	sdelay $0x1  }
0x9f: {  	s19 =	simm.s32 $_scs_section_size  }
0xa0: {  	s6 =	simm.s32 $_size__tile_overlayer_lowered;
	s7 =	simm.s32 $_tile_overlayer_lowered  }
0xa1: {  	s22 =	simm.s32 $0x1BFF;
	s21 =	sshll.u32 s7, $0x1;
	s4 =	sadd.s32 s19, s18  }
0xa2: {  	s8 =	simm.s32 $0x0;
	s20 =	sshll.u32 s6, $0x1;
	s6 =	sadd.s32 s21, s4  }
0xa3: {  	[timem:s8], [sflag:s22] =	dma.local [hbm:s6], s20  }
0xa4: {  	_ =	swait.ge [sflag:s22], s20  }
0xa5: {  	s5 =	ssub.s32 $0x0, s20;
	[sflag:s22] =	ssyncset.done $0x0  }
0xa6: {  	[sflag:s22] =	ssyncadd.s32 s5;
	_ =	sdelay $0x1  }
0xa7: {  	s23 =	simm.s32 $0x1B8B  }
0xa8: {  	_ =	swait.ge [sflag:s23], $0x1  }
0xa9: {  	[sflag:s23] =	ssyncset.done $0x0  }
0xaa: {  	s25 =	simm.s32 $0x1B8E;
	s24 =	sld [smem:$0x3FFE];
	[sflag:s23] =	ssyncadd.s32 $0xFFFFFFFF  }
0xab: {  	s26 =	simm.s32 $execute0_lowered;
	[smem:$0x3FD2] =	sst s25  }
0xac: {  	s6 =	sshll.u32 s26, $0x1;
	_ =	strace $0x80000046;
	[dreg:$0x1] =	wrdreg $0xFFFFFFFF  }
0xad: {  	s28 =	simm.s32 $_size_execute0_lowered;
	s4 =	sadd.s32 s4, s6;
	[dreg:$0x0] =	wrdreg $0x0  }
0xae: {  	s6 =	sshll.u32 s28, $0x1;
	[dreg:$0x2] =	wrdreg s4  }
0xaf: {  	[dreg:$0x3] =	wrdreg s6  }
0xb0: {  	[dreg:$0x4] =	wrdreg $0xC0  }
0xb1: {  	_ =	task [dreg:s8], $0x5FFFF  }
0xb2: {  	[dreg:$0x1] =	wrdreg $0xFFFFFFFF  }
0xb3: {  	[dreg:$0x0] =	wrdreg $0x60  }
0xb4: {  	[dreg:$0x2] =	wrdreg s15  }
0xb5: {  	[dreg:$0x3] =	wrdreg s16  }
0xb6: {  	[dreg:$0x4] =	wrdreg s24  }
0xb7: {  	[dreg:$0x5] =	wrdreg $0x9  }
0xb8: {  	_ =	task.clear_ibuf [dreg:s8], $0x6FFFF;
	_ =	strace $0x90000046  }
0xb9: {  	s29 =	simm.s32 $0x9;
	_ =	strace $0x80000048  }
0xba: {  	_ =	swait.ge [sflag:s29], $0x1  }
0xbb: {  	[sflag:s29] =	ssyncadd.s32 $0xFFFFFFFF  }
0xbc: {  	_ =	strace $0x90000048  }
0xbd: {  	_ =	sfence  }
0xbe: {  	s30 =	sld [smem:$0x0];
	_ =	sdelay $0x2  }
0xbf: {  	s31 =	sshll.u32 s1, $0xD;
	s1 =	sshrl.u32 s1, $0x2  }
0xc0: {  	s3 =	sand.u32 $0x4000, s31;
	s1 =	sadd.s32 s1, s30  }
0xc1: {  	s0 =	sor.u32 s3, s0;
	s1 =	sshll.u32 s1, $0x11  }
0xc2: {  	s0 =	sor.u32 s1, s0  }
0xc3: {  	s0 =	sadd.s32 $0x8F2B, s0  }
0xc4: {  	[sflag:s0] =	ssyncadd.remote.s32 $0x1  }
0xc5: {  	_ =	sfence.sel $0xFFFF  }
0xc6: {  	[dreg:$0x0] =	wrdreg $0xFFFFFFFF;
	(pc) =	sbr.abs _section_cstart, $3  }
0xc7: {  	[dreg:$0x1] =	wrdreg $0xFFFFFFFF  }
0xc8: {  	_ =	task.clear_ibuf [dreg:s8], $0x2FFFF;
	_ =	strace $0x9FFFFFFF  }
0xc9: {  	(tm) =	ssettm $0x7FFFFFFF  }
tec
execute0_lowered:
.L_overlay_start_1:
0x0: {  	(tag) =	ssettag $0x1  }
0x1: {  	s0 =	rddreg [dreg:$0x0]  }
0x2: {  	s1 =	rddreg [dreg:$0x1]  }
0x3: {  	s6 =	rddreg [dreg:$0x2]  }
0x4: {  	s3 =	srdreg.scid;
	s2 =	simm.s32 $0x0;
	s5 =	stileid.u32  }
0x5: {  	s18 =	simm.s32 $0x1;
	s28 =	simm.s32 $0x4080;
	s29 =	simm.s32 $0x4880  }
0x6: {  	s30 =	simm.s32 $0x5080;
	s31 =	simm.s32 $0x5880;
	s10 =	simm.s32 $0x7080  }
0x7: {  	s11 =	simm.s32 $0x7880;
	s12 =	simm.s32 $0x8080;
	s13 =	simm.s32 $0x8880  }
0x8: {  	s14 =	simm.s32 $0x9080;
	s15 =	simm.s32 $0x9880;
	s16 =	simm.s32 $0xA080  }
0x9: {  	s17 =	simm.s32 $0xA880;
	s4 =	sand.u32 $0x1, s3;
	[smem:$0x7FF] =	sst s2  }
0xa: {  	s20 =	sshll.u32 s5, $0x8;
	s3 =	sadd.s32 $0x1200, s6;
	s21 =	sshll.u32 s4, $0x7  }
0xb: {  	_ =	strace $0x80000047;
	s4 =	ssub.s32 $0x2, s4;
	s5 =	sor.u32 s21, s20  }
0xc: {  	s9 =	sshrl.u32 s4, $0x1;
	s20 =	simm.s32 $0x880;
	s21 =	simm.s32 $0x1080  }
0xd: {  	s7 =	sshrl.u32 s5, $0x3;
	s8 =	sshll.u32 s5, $0x7;
	s23 =	ssub.s32 s4, s9  }
0xe: {  	s5 =	sor.u32 $0x40, s5;
	s4 =	sadd.s32 $0x1300, s6;
	s9 =	simm.s32 $0xB080  }
0xf: {  	s7 =	sadd.s32 s1, s7;
	s8 =	sand.u32 $0x3C000, s8;
	s24 =	sshrl.u32 s5, $0x3  }
0x10: {  	s25 =	sshll.u32 s5, $0x7;
	s5 =	sadd.s32 $0x1400, s6;
	s6 =	sadd.s32 $0x1500, s6  }
0x11: {  	[dreg:$0x4] =	wrdreg s7;
	s22 =	sadd.s32 s0, s8;
	s1 =	sadd.s32 s1, s24  }
0x12: {  	s26 =	sand.u32 $0x3E000, s25;
	s7 =	smax.u32 s23, $0x1;
	s8 =	simm.s32 $0x2  }
0x13: {  	v2 =	vlaneseq.u32;
	s23 =	simm.s32 $0x2080;
	s24 =	simm.s32 $0x2880;
	[dreg:$0x5] =	wrdreg s22  }
0x14: {  	vm0 =	vmmov $0xffff;
	v1 =	vshrl.u32 v2, $0x3;
	s25 =	simm.s32 $0x3080;
	[dreg:$0x6] =	wrdreg s1;
	s0 =	sadd.s32 s0, s26  }
0x15: {  	v0 =	vand.u32 $0x7, v2;
	v2 =	vor.u32 $0x8, v2;
	v1 =	vmul.u32 $0x8, v1;
	s22 =	simm.s32 $0x1880;
	s26 =	simm.s32 $0x3880;
	[dreg:$0x7] =	wrdreg s0  }
.LBB2_1:
0x16: {  	s19 =	rddreg [dreg:$0x4]  }
0x17: {  	[tilespmem:s2], [sflag:$0x2] =	stream.linear.gather [hbm4b:s19+s2], $0x40, $0x38;
	[tilespmem:$0x10080] =	vst v63  }
0x18: {  	_ =	swait.ge [sflag:s8], $0x40  }
0x19: {  	[sflag:s8] =	ssyncset.done $0x0  }
0x1a: {  	s0 =	simm.s32 $0x80;
	s1 =	rddreg [dreg:$0x5];
	[sflag:s8] =	ssyncadd.s32 $0xFFFFFFC0  }
0x1b: {  	[tilespmem:s0], [sflag:$0x2] =	stream.linear.gather [hbm4b:s1+s2], $0x10000, $0x38;
	[tilespmem:$0x10080] =	vst v63  }
0x1c: {  	_ =	swait.ge [sflag:s8], $0x10000  }
0x1d: {  	[sflag:s8] =	ssyncset.done $0x0  }
0x1e: {  	[sflag:s8] =	ssyncadd.s32 $0xFFFF0000  }
0x1f: {  	v3 =	vld [tilespmem:$0x0];
	_ =	sdelay $0x4  }
0x20: {  	v4 =	vshll.u32 v3, $0x3  }
0x21: {  	v3 =	vand.u32 $0x7, v3;
	v4 =	vand.u32 $0xFFFFFFC0, v4  }
0x22: {  	v3 =	vor.u32 v3, v4  }
0x23: {  	v4 =	vperm.xlane v3, v0;
	_ =	sdelay $0x1  }
0x24: {  	v4 =	vadd.s32 v1, v4;
	_ =	sdelay $0x4  }
0x25: {  	[hbm4b:s3+s2] =	stream.indirect_vreg.scatter [tilespmem:s0], [sflag:$0x1], $0x80, v4, vm0, $0xb8;
	[tilespmem:$0x10080] =	vst v63  }
0x26: {  	v3 =	vperm.xlane v3, v2  }
0x27: {  	[hbm4b:s4+s2] =	stream.indirect_vreg.scatter [tilespmem:s20], [sflag:$0x1], $0x80, v4, vm0, $0xb8;
	[tilespmem:$0x10080] =	vst v63  }
0x28: {  	v3 =	vadd.s32 v1, v3  }
0x29: {  	[hbm4b:s5+s2] =	stream.indirect_vreg.scatter [tilespmem:s21], [sflag:$0x1], $0x80, v4, vm0, $0xb8;
	[tilespmem:$0x10080] =	vst v63  }
0x2a: {  	_ = 	snop  }
0x2b: {  	[hbm4b:s6+s2] =	stream.indirect_vreg.scatter [tilespmem:s22], [sflag:$0x1], $0x80, v4, vm0, $0xb8;
	[tilespmem:$0x10080] =	vst v63  }
0x2c: {  	_ = 	snop  }
0x2d: {  	[hbm4b:s3+s2] =	stream.indirect_vreg.scatter [tilespmem:s23], [sflag:$0x1], $0x80, v3, vm0, $0xb8;
	[tilespmem:$0x10080] =	vst v63  }
0x2e: {  	_ = 	snop  }
0x2f: {  	[hbm4b:s4+s2] =	stream.indirect_vreg.scatter [tilespmem:s24], [sflag:$0x1], $0x80, v3, vm0, $0xb8;
	[tilespmem:$0x10080] =	vst v63  }
0x30: {  	_ = 	snop  }
0x31: {  	[hbm4b:s5+s2] =	stream.indirect_vreg.scatter [tilespmem:s25], [sflag:$0x1], $0x80, v3, vm0, $0xb8;
	[tilespmem:$0x10080] =	vst v63  }
0x32: {  	_ = 	snop  }
0x33: {  	[hbm4b:s6+s2] =	stream.indirect_vreg.scatter [tilespmem:s26], [sflag:$0x1], $0x80, v3, vm0, $0xb8;
	[tilespmem:$0x10080] =	vst v63  }
0x34: {  	v3 =	vld [tilespmem:$0x10];
	_ =	sdelay $0x4  }
0x35: {  	v57 =	vshll.u32 v3, $0x3  }
0x36: {  	v3 =	vand.u32 $0x7, v3;
	v4 =	vand.u32 $0xFFFFFFC0, v57  }
0x37: {  	v3 =	vor.u32 v3, v4  }
0x38: {  	v4 =	vperm.xlane v3, v0;
	_ =	sdelay $0x1  }
0x39: {  	v4 =	vadd.s32 v1, v4;
	_ =	sdelay $0x4  }
0x3a: {  	[hbm4b:s3+s2] =	stream.indirect_vreg.scatter [tilespmem:s28], [sflag:$0x1], $0x80, v4, vm0, $0xb8;
	[tilespmem:$0x10080] =	vst v63  }
0x3b: {  	v3 =	vperm.xlane v3, v2  }
0x3c: {  	[hbm4b:s4+s2] =	stream.indirect_vreg.scatter [tilespmem:s29], [sflag:$0x1], $0x80, v4, vm0, $0xb8;
	[tilespmem:$0x10080] =	vst v63  }
0x3d: {  	v3 =	vadd.s32 v1, v3  }
0x3e: {  	[hbm4b:s5+s2] =	stream.indirect_vreg.scatter [tilespmem:s30], [sflag:$0x1], $0x80, v4, vm0, $0xb8;
	[tilespmem:$0x10080] =	vst v63  }
0x3f: {  	_ = 	snop  }
0x40: {  	[hbm4b:s6+s2] =	stream.indirect_vreg.scatter [tilespmem:s31], [sflag:$0x1], $0x80, v4, vm0, $0xb8;
	[tilespmem:$0x10080] =	vst v63  }
0x41: {  	s1 =	simm.s32 $0x6080  }
0x42: {  	[hbm4b:s3+s2] =	stream.indirect_vreg.scatter [tilespmem:s1], [sflag:$0x1], $0x80, v3, vm0, $0xb8;
	[tilespmem:$0x10080] =	vst v63  }
0x43: {  	s1 =	simm.s32 $0x6880  }
0x44: {  	[hbm4b:s4+s2] =	stream.indirect_vreg.scatter [tilespmem:s1], [sflag:$0x1], $0x80, v3, vm0, $0xb8;
	[tilespmem:$0x10080] =	vst v63  }
0x45: {  	_ = 	snop  }
0x46: {  	[hbm4b:s5+s2] =	stream.indirect_vreg.scatter [tilespmem:s10], [sflag:$0x1], $0x80, v3, vm0, $0xb8;
	[tilespmem:$0x10080] =	vst v63  }
0x47: {  	_ = 	snop  }
0x48: {  	[hbm4b:s6+s2] =	stream.indirect_vreg.scatter [tilespmem:s11], [sflag:$0x1], $0x80, v3, vm0, $0xb8;
	[tilespmem:$0x10080] =	vst v63  }
0x49: {  	v3 =	vld [tilespmem:$0x20];
	_ =	sdelay $0x4  }
0x4a: {  	v58 =	vshll.u32 v3, $0x3  }
0x4b: {  	v3 =	vand.u32 $0x7, v3;
	v4 =	vand.u32 $0xFFFFFFC0, v58  }
0x4c: {  	v3 =	vor.u32 v3, v4  }
0x4d: {  	v4 =	vperm.xlane v3, v0;
	_ =	sdelay $0x1  }
0x4e: {  	v4 =	vadd.s32 v1, v4;
	_ =	sdelay $0x4  }
0x4f: {  	[hbm4b:s3+s2] =	stream.indirect_vreg.scatter [tilespmem:s12], [sflag:$0x1], $0x80, v4, vm0, $0xb8;
	[tilespmem:$0x10080] =	vst v63  }
0x50: {  	v3 =	vperm.xlane v3, v2  }
0x51: {  	[hbm4b:s4+s2] =	stream.indirect_vreg.scatter [tilespmem:s13], [sflag:$0x1], $0x80, v4, vm0, $0xb8;
	[tilespmem:$0x10080] =	vst v63  }
0x52: {  	v3 =	vadd.s32 v1, v3  }
0x53: {  	[hbm4b:s5+s2] =	stream.indirect_vreg.scatter [tilespmem:s14], [sflag:$0x1], $0x80, v4, vm0, $0xb8;
	[tilespmem:$0x10080] =	vst v63  }
0x54: {  	_ = 	snop  }
0x55: {  	[hbm4b:s6+s2] =	stream.indirect_vreg.scatter [tilespmem:s15], [sflag:$0x1], $0x80, v4, vm0, $0xb8;
	[tilespmem:$0x10080] =	vst v63  }
0x56: {  	_ = 	snop  }
0x57: {  	[hbm4b:s3+s2] =	stream.indirect_vreg.scatter [tilespmem:s16], [sflag:$0x1], $0x80, v3, vm0, $0xb8;
	[tilespmem:$0x10080] =	vst v63  }
0x58: {  	_ = 	snop  }
0x59: {  	[hbm4b:s4+s2] =	stream.indirect_vreg.scatter [tilespmem:s17], [sflag:$0x1], $0x80, v3, vm0, $0xb8;
	[tilespmem:$0x10080] =	vst v63  }
0x5a: {  	_ = 	snop  }
0x5b: {  	[hbm4b:s5+s2] =	stream.indirect_vreg.scatter [tilespmem:s9], [sflag:$0x1], $0x80, v3, vm0, $0xb8;
	[tilespmem:$0x10080] =	vst v63  }
0x5c: {  	s19 =	simm.s32 $0xB880  }
0x5d: {  	[hbm4b:s6+s2] =	stream.indirect_vreg.scatter [tilespmem:s19], [sflag:$0x1], $0x80, v3, vm0, $0xb8;
	[tilespmem:$0x10080] =	vst v63  }
0x5e: {  	v3 =	vld [tilespmem:$0x30];
	_ =	sdelay $0x4  }
0x5f: {  	v59 =	vshll.u32 v3, $0x3  }
0x60: {  	v3 =	vand.u32 $0x7, v3;
	v4 =	vand.u32 $0xFFFFFFC0, v59  }
0x61: {  	v3 =	vor.u32 v3, v4  }
0x62: {  	v4 =	vperm.xlane v3, v0;
	_ =	sdelay $0x1  }
0x63: {  	v4 =	vadd.s32 v1, v4;
	_ =	sdelay $0x3  }
0x64: {  	s19 =	simm.s32 $0xC080  }
0x65: {  	[hbm4b:s3+s2] =	stream.indirect_vreg.scatter [tilespmem:s19], [sflag:$0x1], $0x80, v4, vm0, $0xb8;
	[tilespmem:$0x10080] =	vst v63  }
0x66: {  	v3 =	vperm.xlane v3, v2;
	s19 =	simm.s32 $0xC880  }
0x67: {  	[hbm4b:s4+s2] =	stream.indirect_vreg.scatter [tilespmem:s19], [sflag:$0x1], $0x80, v4, vm0, $0xb8;
	[tilespmem:$0x10080] =	vst v63  }
0x68: {  	v3 =	vadd.s32 v1, v3;
	s19 =	simm.s32 $0xD080  }
0x69: {  	[hbm4b:s5+s2] =	stream.indirect_vreg.scatter [tilespmem:s19], [sflag:$0x1], $0x80, v4, vm0, $0xb8;
	[tilespmem:$0x10080] =	vst v63  }
0x6a: {  	s19 =	simm.s32 $0xD880  }
0x6b: {  	[hbm4b:s6+s2] =	stream.indirect_vreg.scatter [tilespmem:s19], [sflag:$0x1], $0x80, v4, vm0, $0xb8;
	[tilespmem:$0x10080] =	vst v63  }
0x6c: {  	s19 =	simm.s32 $0xE080  }
0x6d: {  	[hbm4b:s3+s2] =	stream.indirect_vreg.scatter [tilespmem:s19], [sflag:$0x1], $0x80, v3, vm0, $0xb8;
	[tilespmem:$0x10080] =	vst v63  }
0x6e: {  	s19 =	simm.s32 $0xE880  }
0x6f: {  	[hbm4b:s4+s2] =	stream.indirect_vreg.scatter [tilespmem:s19], [sflag:$0x1], $0x80, v3, vm0, $0xb8;
	[tilespmem:$0x10080] =	vst v63  }
0x70: {  	s19 =	simm.s32 $0xF080  }
0x71: {  	[hbm4b:s5+s2] =	stream.indirect_vreg.scatter [tilespmem:s19], [sflag:$0x1], $0x80, v3, vm0, $0xb8;
	[tilespmem:$0x10080] =	vst v63  }
0x72: {  	s19 =	simm.s32 $0xF880  }
0x73: {  	[hbm4b:s6+s2] =	stream.indirect_vreg.scatter [tilespmem:s19], [sflag:$0x1], $0x80, v3, vm0, $0xb8;
	[tilespmem:$0x10080] =	vst v63  }
0x74: {  	_ =	swait.ge [sflag:s18], $0x10000  }
0x75: {  	[sflag:s18] =	ssyncset.done $0x0  }
0x76: {  	s19 =	rddreg [dreg:$0x6];
	[sflag:s18] =	ssyncadd.s32 $0xFFFF0000  }
0x77: {  	[tilespmem:s2], [sflag:$0x2] =	stream.linear.gather [hbm4b:s19+s2], $0x40, $0x38;
	[tilespmem:$0x10080] =	vst v63  }
0x78: {  	_ =	swait.ge [sflag:s8], $0x40  }
0x79: {  	[sflag:s8] =	ssyncset.done $0x0  }
0x7a: {  	s19 =	rddreg [dreg:$0x7];
	[sflag:s8] =	ssyncadd.s32 $0xFFFFFFC0  }
0x7b: {  	[tilespmem:s0], [sflag:$0x2] =	stream.linear.gather [hbm4b:s19+s2], $0x10000, $0x38;
	[tilespmem:$0x10080] =	vst v63  }
0x7c: {  	_ =	swait.ge [sflag:s8], $0x10000  }
0x7d: {  	[sflag:s8] =	ssyncset.done $0x0  }
0x7e: {  	[sflag:s8] =	ssyncadd.s32 $0xFFFF0000  }
0x7f: {  	v3 =	vld [tilespmem:$0x0];
	_ =	sdelay $0x4  }
0x80: {  	v60 =	vshll.u32 v3, $0x3  }
0x81: {  	v3 =	vand.u32 $0x7, v3;
	v4 =	vand.u32 $0xFFFFFFC0, v60  }
0x82: {  	v3 =	vor.u32 v3, v4  }
0x83: {  	v4 =	vperm.xlane v3, v0;
	_ =	sdelay $0x1  }
0x84: {  	v4 =	vadd.s32 v1, v4;
	_ =	sdelay $0x4  }
0x85: {  	[hbm4b:s3+s2] =	stream.indirect_vreg.scatter [tilespmem:s0], [sflag:$0x1], $0x80, v4, vm0, $0xb8;
	[tilespmem:$0x10080] =	vst v63  }
0x86: {  	v3 =	vperm.xlane v3, v2  }
0x87: {  	[hbm4b:s4+s2] =	stream.indirect_vreg.scatter [tilespmem:s20], [sflag:$0x1], $0x80, v4, vm0, $0xb8;
	[tilespmem:$0x10080] =	vst v63  }
0x88: {  	v3 =	vadd.s32 v1, v3  }
0x89: {  	[hbm4b:s5+s2] =	stream.indirect_vreg.scatter [tilespmem:s21], [sflag:$0x1], $0x80, v4, vm0, $0xb8;
	[tilespmem:$0x10080] =	vst v63  }
0x8a: {  	_ = 	snop  }
0x8b: {  	[hbm4b:s6+s2] =	stream.indirect_vreg.scatter [tilespmem:s22], [sflag:$0x1], $0x80, v4, vm0, $0xb8;
	[tilespmem:$0x10080] =	vst v63  }
0x8c: {  	_ = 	snop  }
0x8d: {  	[hbm4b:s3+s2] =	stream.indirect_vreg.scatter [tilespmem:s23], [sflag:$0x1], $0x80, v3, vm0, $0xb8;
	[tilespmem:$0x10080] =	vst v63  }
0x8e: {  	_ = 	snop  }
0x8f: {  	[hbm4b:s4+s2] =	stream.indirect_vreg.scatter [tilespmem:s24], [sflag:$0x1], $0x80, v3, vm0, $0xb8;
	[tilespmem:$0x10080] =	vst v63  }
0x90: {  	_ = 	snop  }
0x91: {  	[hbm4b:s5+s2] =	stream.indirect_vreg.scatter [tilespmem:s25], [sflag:$0x1], $0x80, v3, vm0, $0xb8;
	[tilespmem:$0x10080] =	vst v63  }
0x92: {  	_ = 	snop  }
0x93: {  	[hbm4b:s6+s2] =	stream.indirect_vreg.scatter [tilespmem:s26], [sflag:$0x1], $0x80, v3, vm0, $0xb8;
	[tilespmem:$0x10080] =	vst v63  }
0x94: {  	v3 =	vld [tilespmem:$0x10];
	_ =	sdelay $0x4  }
0x95: {  	v61 =	vshll.u32 v3, $0x3  }
0x96: {  	v3 =	vand.u32 $0x7, v3;
	v4 =	vand.u32 $0xFFFFFFC0, v61  }
0x97: {  	v3 =	vor.u32 v3, v4  }
0x98: {  	v4 =	vperm.xlane v3, v0;
	_ =	sdelay $0x1  }
0x99: {  	v4 =	vadd.s32 v1, v4;
	_ =	sdelay $0x4  }
0x9a: {  	[hbm4b:s3+s2] =	stream.indirect_vreg.scatter [tilespmem:s28], [sflag:$0x1], $0x80, v4, vm0, $0xb8;
	[tilespmem:$0x10080] =	vst v63  }
0x9b: {  	v3 =	vperm.xlane v3, v2  }
0x9c: {  	[hbm4b:s4+s2] =	stream.indirect_vreg.scatter [tilespmem:s29], [sflag:$0x1], $0x80, v4, vm0, $0xb8;
	[tilespmem:$0x10080] =	vst v63  }
0x9d: {  	v3 =	vadd.s32 v1, v3  }
0x9e: {  	[hbm4b:s5+s2] =	stream.indirect_vreg.scatter [tilespmem:s30], [sflag:$0x1], $0x80, v4, vm0, $0xb8;
	[tilespmem:$0x10080] =	vst v63  }
0x9f: {  	_ = 	snop  }
0xa0: {  	[hbm4b:s6+s2] =	stream.indirect_vreg.scatter [tilespmem:s31], [sflag:$0x1], $0x80, v4, vm0, $0xb8;
	[tilespmem:$0x10080] =	vst v63  }
0xa1: {  	s19 =	simm.s32 $0x6080  }
0xa2: {  	[hbm4b:s3+s2] =	stream.indirect_vreg.scatter [tilespmem:s19], [sflag:$0x1], $0x80, v3, vm0, $0xb8;
	[tilespmem:$0x10080] =	vst v63  }
0xa3: {  	_ = 	snop  }
0xa4: {  	[hbm4b:s4+s2] =	stream.indirect_vreg.scatter [tilespmem:s1], [sflag:$0x1], $0x80, v3, vm0, $0xb8;
	[tilespmem:$0x10080] =	vst v63  }
0xa5: {  	_ = 	snop  }
0xa6: {  	[hbm4b:s5+s2] =	stream.indirect_vreg.scatter [tilespmem:s10], [sflag:$0x1], $0x80, v3, vm0, $0xb8;
	[tilespmem:$0x10080] =	vst v63  }
0xa7: {  	_ = 	snop  }
0xa8: {  	[hbm4b:s6+s2] =	stream.indirect_vreg.scatter [tilespmem:s11], [sflag:$0x1], $0x80, v3, vm0, $0xb8;
	[tilespmem:$0x10080] =	vst v63  }
0xa9: {  	v3 =	vld [tilespmem:$0x20];
	_ =	sdelay $0x4  }
0xaa: {  	v62 =	vshll.u32 v3, $0x3  }
0xab: {  	v3 =	vand.u32 $0x7, v3;
	v4 =	vand.u32 $0xFFFFFFC0, v62  }
0xac: {  	v3 =	vor.u32 v3, v4  }
0xad: {  	v4 =	vperm.xlane v3, v0;
	_ =	sdelay $0x1  }
0xae: {  	v4 =	vadd.s32 v1, v4;
	_ =	sdelay $0x4  }
0xaf: {  	[hbm4b:s3+s2] =	stream.indirect_vreg.scatter [tilespmem:s12], [sflag:$0x1], $0x80, v4, vm0, $0xb8;
	[tilespmem:$0x10080] =	vst v63  }
0xb0: {  	v3 =	vperm.xlane v3, v2  }
0xb1: {  	[hbm4b:s4+s2] =	stream.indirect_vreg.scatter [tilespmem:s13], [sflag:$0x1], $0x80, v4, vm0, $0xb8;
	[tilespmem:$0x10080] =	vst v63  }
0xb2: {  	v3 =	vadd.s32 v1, v3  }
0xb3: {  	[hbm4b:s5+s2] =	stream.indirect_vreg.scatter [tilespmem:s14], [sflag:$0x1], $0x80, v4, vm0, $0xb8;
	[tilespmem:$0x10080] =	vst v63  }
0xb4: {  	_ = 	snop  }
0xb5: {  	[hbm4b:s6+s2] =	stream.indirect_vreg.scatter [tilespmem:s15], [sflag:$0x1], $0x80, v4, vm0, $0xb8;
	[tilespmem:$0x10080] =	vst v63  }
0xb6: {  	_ = 	snop  }
0xb7: {  	[hbm4b:s3+s2] =	stream.indirect_vreg.scatter [tilespmem:s16], [sflag:$0x1], $0x80, v3, vm0, $0xb8;
	[tilespmem:$0x10080] =	vst v63  }
0xb8: {  	_ = 	snop  }
0xb9: {  	[hbm4b:s4+s2] =	stream.indirect_vreg.scatter [tilespmem:s17], [sflag:$0x1], $0x80, v3, vm0, $0xb8;
	[tilespmem:$0x10080] =	vst v63  }
0xba: {  	_ = 	snop  }
0xbb: {  	[hbm4b:s5+s2] =	stream.indirect_vreg.scatter [tilespmem:s9], [sflag:$0x1], $0x80, v3, vm0, $0xb8;
	[tilespmem:$0x10080] =	vst v63  }
0xbc: {  	s19 =	simm.s32 $0xB880  }
0xbd: {  	[hbm4b:s6+s2] =	stream.indirect_vreg.scatter [tilespmem:s19], [sflag:$0x1], $0x80, v3, vm0, $0xb8;
	[tilespmem:$0x10080] =	vst v63  }
0xbe: {  	v3 =	vld [tilespmem:$0x30];
	_ =	sdelay $0x4  }
0xbf: {  	v63 =	vshll.u32 v3, $0x3  }
0xc0: {  	v3 =	vand.u32 $0x7, v3;
	v4 =	vand.u32 $0xFFFFFFC0, v63  }
0xc1: {  	v3 =	vor.u32 v3, v4  }
0xc2: {  	v4 =	vperm.xlane v3, v0;
	_ =	sdelay $0x1  }
0xc3: {  	v4 =	vadd.s32 v1, v4;
	_ =	sdelay $0x3  }
0xc4: {  	s1 =	simm.s32 $0xC080  }
0xc5: {  	[hbm4b:s3+s2] =	stream.indirect_vreg.scatter [tilespmem:s1], [sflag:$0x1], $0x80, v4, vm0, $0xb8;
	[tilespmem:$0x10080] =	vst v63  }
0xc6: {  	s19 =	simm.s32 $0xC880;
	v3 =	vperm.xlane v3, v2  }
0xc7: {  	[hbm4b:s4+s2] =	stream.indirect_vreg.scatter [tilespmem:s19], [sflag:$0x1], $0x80, v4, vm0, $0xb8;
	[tilespmem:$0x10080] =	vst v63  }
0xc8: {  	v3 =	vadd.s32 v1, v3;
	s1 =	simm.s32 $0xD080  }
0xc9: {  	[hbm4b:s5+s2] =	stream.indirect_vreg.scatter [tilespmem:s1], [sflag:$0x1], $0x80, v4, vm0, $0xb8;
	[tilespmem:$0x10080] =	vst v63  }
0xca: {  	s19 =	simm.s32 $0xD880  }
0xcb: {  	[hbm4b:s6+s2] =	stream.indirect_vreg.scatter [tilespmem:s19], [sflag:$0x1], $0x80, v4, vm0, $0xb8;
	[tilespmem:$0x10080] =	vst v63  }
0xcc: {  	s1 =	simm.s32 $0xE080  }
0xcd: {  	[hbm4b:s3+s2] =	stream.indirect_vreg.scatter [tilespmem:s1], [sflag:$0x1], $0x80, v3, vm0, $0xb8;
	[tilespmem:$0x10080] =	vst v63  }
0xce: {  	s19 =	simm.s32 $0xE880  }
0xcf: {  	[hbm4b:s4+s2] =	stream.indirect_vreg.scatter [tilespmem:s19], [sflag:$0x1], $0x80, v3, vm0, $0xb8;
	[tilespmem:$0x10080] =	vst v63  }
0xd0: {  	p0 =	sne.s32 s7, $0x1;
	s1 =	simm.s32 $0xF080  }
0xd1: {  	[hbm4b:s5+s2] =	stream.indirect_vreg.scatter [tilespmem:s1], [sflag:$0x1], $0x80, v3, vm0, $0xb8;
	[tilespmem:$0x10080] =	vst v63  }
.Ltmp0:
0xd2: {  	s19 =	simm.s32 $0xF880;
	(pc) =	sbr.rel @p0 .LBB2_1-.Ltmp0, $4  }
0xd3: {  	[hbm4b:s6+s2] =	stream.indirect_vreg.scatter [tilespmem:s19], [sflag:$0x1], $0x80, v3, vm0, $0xb8;
	[tilespmem:$0x10080] =	vst v63  }
0xd4: {  	_ =	swait.ge [sflag:s18], $0x10000  }
0xd5: {  	[sflag:s18] =	ssyncset.done $0x0  }
0xd6: {  	s7 =	sadd.s32 $0xFFFFFFFF, s7;
	[sflag:s18] =	ssyncadd.s32 $0xFFFF0000  }
0xd7: {  	_ =	sfence.sel $0x180000  }
0xd8: {  	[bflag:$0x0] =	sbarrier.arrive $0xFFFF  }
0xd9: {  	_ =	strace $0x90000047  }
0xda: {  	s0 =	stileid.u32;
	[bflag:$0x2] =	sbarrier.arrive $0xFFFF  }
0xdb: {  	p0 =	sne.s32 s0, $0x0;
	s0 =	rddreg [dreg:$0x3]  }
0xdc: {  	s0 =	sadd.s32 @!p0 $0x100000, s0  }
0xdd: {  	[sflag:s0] =	ssyncadd.tile.s32 @!p0 $0x1;
	_ =	shalt  }
.Lfunc_end2:
_tile_overlayer_lowered:
.L_overlay_start_2:
0xde: {  	(tag) =	ssettag $0x2  }
0xdf: {  	s0 =	rddreg [dreg:$0x0];
	s2 =	stileid.u32  }
0xe0: {  	s1 =	rddreg [dreg:$0x1];
	p0 =	sne.s32 s2, $0x0  }
0xe1: {  	s3 =	rddreg [dreg:$0x2];
	[bflag:$0x3] =	sbarrier.arrive $0xFFFF;
	s2 =	simm.s32 @!p0 $0x1C02  }
0xe2: {  	[timem:s3], [sflag:s2] =	dma.local @!p0 [hbm:s0], s1  }
0xe3: {  	s0 =	simm.s32 @!p0 $0x2  }
0xe4: {  	_ =	swait.ge @!p0 [sflag:s0], s1  }
0xe5: {  	s1 =	ssub.s32 @!p0 $0x0, s1;
	[sflag:s0] =	ssyncset.done @!p0 $0x0  }
0xe6: {  	[sflag:s0] =	ssyncadd.s32 @!p0 s1  }
0xe7: {  	[bflag:$0x3] =	sbarrier.arrive $0xFFFF  }
0xe8: {  	_ =	shalt  }

</sc_bundles>
